<compile_context>
chip_gen: v7x
topology: tpu7x:2x2x1
jax: 0.10.2.dev20260603
libtpu: 0.0.44.dev20260713+nightly
codegen_flags: <defaults>
</compile_context>

<pallas_src>
import functools
import math

import jax
import jax.numpy as jnp
from jax import lax
from jax.experimental import pallas as pl
from jax.experimental.pallas import tpu as pltpu
from jax.experimental.pallas import tpu_sc as plsc

EMBED = 32
OUT_W = 70
LANES = 16
NUM_CORES = 2
NUM_SUBCORES = 16
NUM_WORKERS = NUM_CORES * NUM_SUBCORES
CHUNK = 512
GROUPS = CHUNK // LANES

_C1 = 2.0 * math.pi
_C3 = -((2.0 * math.pi) ** 3) / 6.0
_C5 = ((2.0 * math.pi) ** 5) / 120.0
_C7 = -((2.0 * math.pi) ** 7) / 5040.0
_C9 = ((2.0 * math.pi) ** 9) / 362880.0


def _sin2pi(x):
    u = x - x.astype(jnp.int32).astype(jnp.float32)
    v = u - 0.5
    av = jnp.abs(v)
    m = jnp.minimum(av, 0.5 - av)
    w = m * jnp.sign(v)
    z = w * w
    p = ((((_C9 * z + _C7) * z + _C5) * z + _C3) * z + _C1)
    return -(p * w)


def _body(hour_hbm, wd_hbm, nt_hbm, htab_hbm, wtab_hbm, out_hbm,
          htab_v, wtab_v, hour_v, wd_v, nt_v, out_v, *, per_worker):
    wid = lax.axis_index("s") * NUM_CORES + lax.axis_index("c")
    base = wid * per_worker
    n_chunks = per_worker // CHUNK

    pltpu.sync_copy(htab_hbm, htab_v)
    pltpu.sync_copy(wtab_hbm, wtab_v)

    iota70 = lax.iota(jnp.int32, LANES) * OUT_W

    def group_body(g, _):
        sl = pl.ds(g * LANES, LANES)
        h = hour_v[sl]
        w = wd_v[sl]
        t = nt_v[sl]
        h32 = h * EMBED
        w32 = w * EMBED
        obase = iota70 + g * (LANES * OUT_W)
        for d in range(EMBED):
            hv = plsc.load_gather(htab_v, [h32 + d])
            plsc.store_scatter(out_v, [obase + d], hv)
        for d in range(EMBED):
            wv = plsc.load_gather(wtab_v, [w32 + d])
            plsc.store_scatter(out_v, [obase + (EMBED + d)], wv)
        s1 = _sin2pi(t)
        c1 = _sin2pi(t + 0.25)
        s2 = 2.0 * s1 * c1
        c2 = 1.0 - 2.0 * s1 * s1
        s4 = 2.0 * s2 * c2
        c4 = 1.0 - 2.0 * s2 * s2
        for k, val in enumerate((s1, c1, s2, c2, s4, c4)):
            plsc.store_scatter(out_v, [obase + (2 * EMBED + k)], val)
        return 0

    def chunk_body(c, _):
        row0 = base + c * CHUNK
        pltpu.sync_copy(hour_hbm.at[pl.ds(row0, CHUNK)], hour_v)
        pltpu.sync_copy(wd_hbm.at[pl.ds(row0, CHUNK)], wd_v)
        pltpu.sync_copy(nt_hbm.at[pl.ds(row0, CHUNK)], nt_v)
        lax.fori_loop(0, GROUPS, group_body, 0)
        pltpu.sync_copy(out_v, out_hbm.at[pl.ds(row0 * OUT_W, CHUNK * OUT_W)])
        return 0

    lax.fori_loop(0, n_chunks, chunk_body, 0)


@functools.cache
def _build(n_tokens, n_hour, n_wd):
    per_worker = n_tokens // NUM_WORKERS
    mesh = plsc.VectorSubcoreMesh(core_axis_name="c", subcore_axis_name="s")
    return pl.kernel(
        functools.partial(_body, per_worker=per_worker),
        out_type=jax.ShapeDtypeStruct((n_tokens * OUT_W,), jnp.float32),
        mesh=mesh,
        compiler_params=pltpu.CompilerParams(needs_layout_passes=False),
        scratch_types=[
            pltpu.VMEM((n_hour * EMBED,), jnp.float32),
            pltpu.VMEM((n_wd * EMBED,), jnp.float32),
            pltpu.VMEM((CHUNK,), jnp.int32),
            pltpu.VMEM((CHUNK,), jnp.int32),
            pltpu.VMEM((CHUNK,), jnp.float32),
            pltpu.VMEM((CHUNK * OUT_W,), jnp.float32),
        ],
    )


def kernel(hour, weekday, norm_time, hour_table, weekday_table):
    b, l = hour.shape
    n_tokens = b * l
    assert n_tokens % (NUM_WORKERS * CHUNK) == 0
    fn = _build(n_tokens, hour_table.shape[0], weekday_table.shape[0])
    out = fn(
        hour.reshape(-1).astype(jnp.int32),
        weekday.reshape(-1).astype(jnp.int32),
        norm_time.reshape(-1),
        hour_table.reshape(-1),
        weekday_table.reshape(-1),
    )
    return out.reshape(b, l, OUT_W)

# --- scband reference (transcript-rebuilt; emitter-appended) ---
"""Pipeline reference for scband-time-key-encoder-31499290149142 (READ-ONLY COPY).

The authoritative reference and input builder live on the scoring server;
editing this copy changes nothing except your own understanding.
"""

import jax, jax.numpy as jnp
import numpy as np

EMBED_DIM = 32
MAX_HOUR = 24
MAX_WEEKDAY = 7
B, L = 16384, 200


def setup_inputs(seed: int = 0) -> dict:
    key = jax.random.key(seed)
    k1, k2, k3, k4, k5 = jax.random.split(key, 5)
    hour = jax.random.randint(k1, (B, L), 0, MAX_HOUR, dtype=jnp.int64 if jax.config.jax_enable_x64 else jnp.int32)
    weekday = jax.random.randint(k2, (B, L), 0, MAX_WEEKDAY, dtype=jnp.int64 if jax.config.jax_enable_x64 else jnp.int32)
    norm_time = jax.random.uniform(k3, (B, L), dtype=jnp.float32)
    hour_table = jax.random.normal(k4, (MAX_HOUR, EMBED_DIM), dtype=jnp.float32)
    weekday_table = jax.random.normal(k5, (MAX_WEEKDAY, EMBED_DIM), dtype=jnp.float32)
    return {"hour": hour, "weekday": weekday, "norm_time": norm_time,
            "hour_table": hour_table, "weekday_table": weekday_table}


def _sine_cosine_encoding(norm_time, frequencies=(1, 2, 4)):
    embeddings = []
    for freq in frequencies:
        sine = jnp.sin(2.0 * jnp.pi * freq * norm_time)
        cosine = jnp.cos(2.0 * jnp.pi * freq * norm_time)
        embeddings.append(jnp.stack([sine, cosine], axis=-1))
    return jnp.concatenate(embeddings, axis=-1)


def reference(hour, weekday, norm_time, hour_table, weekday_table):
    hour_emb = jnp.take(hour_table, hour, axis=0)
    weekday_emb = jnp.take(weekday_table, weekday, axis=0)
    discrete_emb = jnp.concatenate([hour_emb, weekday_emb], axis=-1)
    sine_cosine_emb = _sine_cosine_encoding(norm_time)
    return jnp.concatenate([discrete_emb, sine_cosine_emb], axis=-1)

if __name__ == "__main__":
    import jax
    _d = setup_inputs()
    print(jax.jit(kernel)(*tuple(_d.values())))

</pallas_src>

<mosaic_0001>
#map = affine_map<(d0, d1) -> (0)>
module attributes {stable_mosaic.version = 14 : i64} {
  func.func @_body(%arg0: i32, %arg1: i32, %arg2: memref<3276800xi32, #tpu.memory_space<hbm>>, %arg3: memref<3276800xi32, #tpu.memory_space<hbm>>, %arg4: memref<3276800xf32, #tpu.memory_space<hbm>>, %arg5: memref<768xf32, #tpu.memory_space<hbm>>, %arg6: memref<224xf32, #tpu.memory_space<hbm>>, %arg7: memref<229376000xf32, #tpu.memory_space<hbm>>, %arg8: memref<768xf32, #tpu.memory_space<vmem>>, %arg9: memref<224xf32, #tpu.memory_space<vmem>>, %arg10: memref<512xi32, #tpu.memory_space<vmem>>, %arg11: memref<512xi32, #tpu.memory_space<vmem>>, %arg12: memref<512xf32, #tpu.memory_space<vmem>>, %arg13: memref<35840xf32, #tpu.memory_space<vmem>>) attributes {dimension_semantics = [#tpu.dimension_semantics<core_parallel>, #tpu.dimension_semantics<subcore_parallel>], iteration_bounds = array<i64: 2, 16>, scalar_prefetch = 0 : i64, scratch_operands = 6 : i64, tpu.core_type = #tpu.core_type<sc_vector_subcore>, window_params = [{transform_indices = #map}, {transform_indices = #map}, {transform_indices = #map}, {transform_indices = #map}, {transform_indices = #map}, {transform_indices = #map}]} {
    %mul3A = arith.constant 2 : i32
    %mul3A_0 = arith.muli %arg1, %mul3A : i32
    %add3A = arith.addi %mul3A_0, %arg0 : i32
    %mul3A_1 = arith.constant 102400 : i32
    %mul3A_2 = arith.muli %add3A, %mul3A_1 : i32
    "tpu.region"() ({
      %run_scoped3A = tpu.sem_alloc : memref<!tpu.dma_semaphore, #tpu.memory_space<semaphore_mem>>
      tpu.enqueue_dma source(%arg5 : memref<768xf32, #tpu.memory_space<hbm>>) target(%arg8 : memref<768xf32, #tpu.memory_space<vmem>>) target_semaphore(%run_scoped3A : memref<!tpu.dma_semaphore, #tpu.memory_space<semaphore_mem>>)
      tpu.wait_dma2 semaphore(%run_scoped3A : memref<!tpu.dma_semaphore, #tpu.memory_space<semaphore_mem>>) src(%arg5 : memref<768xf32, #tpu.memory_space<hbm>>) dst(%arg8 : memref<768xf32, #tpu.memory_space<vmem>>)
      tpu.yield
    }) : () -> ()
    "tpu.region"() ({
      %run_scoped3A = tpu.sem_alloc : memref<!tpu.dma_semaphore, #tpu.memory_space<semaphore_mem>>
      tpu.enqueue_dma source(%arg6 : memref<224xf32, #tpu.memory_space<hbm>>) target(%arg9 : memref<224xf32, #tpu.memory_space<vmem>>) target_semaphore(%run_scoped3A : memref<!tpu.dma_semaphore, #tpu.memory_space<semaphore_mem>>)
      tpu.wait_dma2 semaphore(%run_scoped3A : memref<!tpu.dma_semaphore, #tpu.memory_space<semaphore_mem>>) src(%arg6 : memref<224xf32, #tpu.memory_space<hbm>>) dst(%arg9 : memref<224xf32, #tpu.memory_space<vmem>>)
      tpu.yield
    }) : () -> ()
    %iota3A = tpu.iota {dimensions = array<i32: 0>} : vector<16xi32>
    %mul3A_3 = arith.constant 70 : i32
    %mul3A_4 = vector.broadcast %mul3A_3 : i32 to vector<16xi32>
    %mul3A_5 = arith.muli %iota3A, %mul3A_4 : vector<16xi32>
    %scan3A = arith.constant 0 : i32
    %scan3A_6 = arith.constant 0 : i32
    %scan3A_7 = arith.constant 200 : i32
    %scan3A_8 = arith.addi %scan3A_6, %scan3A_7 : i32
    %scan3A_9 = arith.constant 1 : i32
    %scan3A_10 = scf.for %scan3A_12 = %scan3A_6 to %scan3A_8 step %scan3A_9 iter_args(%scan3A_13 = %scan3A) -> (i32)  : i32 {
      %mul3A_14 = arith.constant 512 : i32
      %mul3A_15 = arith.muli %scan3A_12, %mul3A_14 : i32
      %add3A_16 = arith.addi %mul3A_2, %mul3A_15 : i32
      "tpu.region"() ({
        %run_scoped3A = tpu.sem_alloc : memref<!tpu.dma_semaphore, #tpu.memory_space<semaphore_mem>>
        %dma_start3A = tpu.memref_slice %arg2[%add3A_16] : memref<3276800xi32, #tpu.memory_space<hbm>> -> memref<512xi32, #tpu.memory_space<hbm>>
        %dma_start3A_27 = tpu.memref_slice %arg2[%add3A_16] : memref<3276800xi32, #tpu.memory_space<hbm>> -> memref<512xi32, #tpu.memory_space<hbm>>
        tpu.enqueue_dma source(%dma_start3A_27 : memref<512xi32, #tpu.memory_space<hbm>>) target(%arg10 : memref<512xi32, #tpu.memory_space<vmem>>) target_semaphore(%run_scoped3A : memref<!tpu.dma_semaphore, #tpu.memory_space<semaphore_mem>>)
        %dma_wait3A = tpu.memref_slice %arg2[%add3A_16] : memref<3276800xi32, #tpu.memory_space<hbm>> -> memref<512xi32, #tpu.memory_space<hbm>>
        %dma_wait3A_28 = tpu.memref_slice %arg2[%add3A_16] : memref<3276800xi32, #tpu.memory_space<hbm>> -> memref<512xi32, #tpu.memory_space<hbm>>
        tpu.wait_dma2 semaphore(%run_scoped3A : memref<!tpu.dma_semaphore, #tpu.memory_space<semaphore_mem>>) src(%dma_wait3A_28 : memref<512xi32, #tpu.memory_space<hbm>>) dst(%arg10 : memref<512xi32, #tpu.memory_space<vmem>>)
        tpu.yield
      }) : () -> ()
      "tpu.region"() ({
        %run_scoped3A = tpu.sem_alloc : memref<!tpu.dma_semaphore, #tpu.memory_space<semaphore_mem>>
        %dma_start3A = tpu.memref_slice %arg3[%add3A_16] : memref<3276800xi32, #tpu.memory_space<hbm>> -> memref<512xi32, #tpu.memory_space<hbm>>
        %dma_start3A_27 = tpu.memref_slice %arg3[%add3A_16] : memref<3276800xi32, #tpu.memory_space<hbm>> -> memref<512xi32, #tpu.memory_space<hbm>>
        tpu.enqueue_dma source(%dma_start3A_27 : memref<512xi32, #tpu.memory_space<hbm>>) target(%arg11 : memref<512xi32, #tpu.memory_space<vmem>>) target_semaphore(%run_scoped3A : memref<!tpu.dma_semaphore, #tpu.memory_space<semaphore_mem>>)
        %dma_wait3A = tpu.memref_slice %arg3[%add3A_16] : memref<3276800xi32, #tpu.memory_space<hbm>> -> memref<512xi32, #tpu.memory_space<hbm>>
        %dma_wait3A_28 = tpu.memref_slice %arg3[%add3A_16] : memref<3276800xi32, #tpu.memory_space<hbm>> -> memref<512xi32, #tpu.memory_space<hbm>>
        tpu.wait_dma2 semaphore(%run_scoped3A : memref<!tpu.dma_semaphore, #tpu.memory_space<semaphore_mem>>) src(%dma_wait3A_28 : memref<512xi32, #tpu.memory_space<hbm>>) dst(%arg11 : memref<512xi32, #tpu.memory_space<vmem>>)
        tpu.yield
      }) : () -> ()
      "tpu.region"() ({
        %run_scoped3A = tpu.sem_alloc : memref<!tpu.dma_semaphore, #tpu.memory_space<semaphore_mem>>
        %dma_start3A = tpu.memref_slice %arg4[%add3A_16] : memref<3276800xf32, #tpu.memory_space<hbm>> -> memref<512xf32, #tpu.memory_space<hbm>>
        %dma_start3A_27 = tpu.memref_slice %arg4[%add3A_16] : memref<3276800xf32, #tpu.memory_space<hbm>> -> memref<512xf32, #tpu.memory_space<hbm>>
        tpu.enqueue_dma source(%dma_start3A_27 : memref<512xf32, #tpu.memory_space<hbm>>) target(%arg12 : memref<512xf32, #tpu.memory_space<vmem>>) target_semaphore(%run_scoped3A : memref<!tpu.dma_semaphore, #tpu.memory_space<semaphore_mem>>)
        %dma_wait3A = tpu.memref_slice %arg4[%add3A_16] : memref<3276800xf32, #tpu.memory_space<hbm>> -> memref<512xf32, #tpu.memory_space<hbm>>
        %dma_wait3A_28 = tpu.memref_slice %arg4[%add3A_16] : memref<3276800xf32, #tpu.memory_space<hbm>> -> memref<512xf32, #tpu.memory_space<hbm>>
        tpu.wait_dma2 semaphore(%run_scoped3A : memref<!tpu.dma_semaphore, #tpu.memory_space<semaphore_mem>>) src(%dma_wait3A_28 : memref<512xf32, #tpu.memory_space<hbm>>) dst(%arg12 : memref<512xf32, #tpu.memory_space<vmem>>)
        tpu.yield
      }) : () -> ()
      %scan3A_17 = arith.constant 0 : i32
      %scan3A_18 = arith.constant 0 : i32
      %scan3A_19 = arith.constant 32 : i32
      %scan3A_20 = arith.addi %scan3A_18, %scan3A_19 : i32
      %scan3A_21 = arith.constant 1 : i32
      %scan3A_22 = scf.for %scan3A_27 = %scan3A_18 to %scan3A_20 step %scan3A_21 iter_args(%scan3A_28 = %scan3A_17) -> (i32)  : i32 {
        %mul3A_29 = arith.constant 16 : i32
        %mul3A_30 = arith.muli %scan3A_27, %mul3A_29 : i32
        %get3A = arith.index_cast %mul3A_30 : i32 to index
        %get3A_31 = tpu.vector_load %arg10[%get3A] {strides = array<i32>} : memref<512xi32, #tpu.memory_space<vmem>>, vector<16xi32>,
        %get3A_32 = arith.index_cast %mul3A_30 : i32 to index
        %get3A_33 = tpu.vector_load %arg11[%get3A_32] {strides = array<i32>} : memref<512xi32, #tpu.memory_space<vmem>>, vector<16xi32>,
        %get3A_34 = arith.index_cast %mul3A_30 : i32 to index
        %get3A_35 = tpu.vector_load %arg12[%get3A_34] {strides = array<i32>} : memref<512xf32, #tpu.memory_space<vmem>>, vector<16xf32>,
        %mul3A_36 = arith.constant 32 : i32
        %mul3A_37 = vector.broadcast %mul3A_36 : i32 to vector<16xi32>
        %mul3A_38 = arith.muli %get3A_31, %mul3A_37 : vector<16xi32>
        %mul3A_39 = arith.constant 32 : i32
        %mul3A_40 = vector.broadcast %mul3A_39 : i32 to vector<16xi32>
        %mul3A_41 = arith.muli %get3A_33, %mul3A_40 : vector<16xi32>
        %mul3A_42 = arith.constant 1120 : i32
        %mul3A_43 = arith.muli %scan3A_27, %mul3A_42 : i32
        %add3A_44 = vector.broadcast %mul3A_43 : i32 to vector<16xi32>
        %add3A_45 = arith.addi %mul3A_5, %add3A_44 : vector<16xi32>
        %add3A_46 = arith.constant 0 : i32
        %add3A_47 = vector.broadcast %add3A_46 : i32 to vector<16xi32>
        %add3A_48 = arith.addi %mul3A_38, %add3A_47 : vector<16xi32>
        %gather3A = tpu.vector_load_idx %arg8[%add3A_48] : memref<768xf32, #tpu.memory_space<vmem>>[vector<16xi32>], vector<16xf32>,
        %add3A_49 = arith.constant 0 : i32
        %add3A_50 = vector.broadcast %add3A_49 : i32 to vector<16xi32>
        %add3A_51 = arith.addi %add3A_45, %add3A_50 : vector<16xi32>
        tpu.vector_store_idx %arg13[%add3A_51], %gather3A : memref<35840xf32, #tpu.memory_space<vmem>>[vector<16xi32>], vector<16xf32>,
        %add3A_52 = arith.constant 1 : i32
        %add3A_53 = vector.broadcast %add3A_52 : i32 to vector<16xi32>
        %add3A_54 = arith.addi %mul3A_38, %add3A_53 : vector<16xi32>
        %gather3A_55 = tpu.vector_load_idx %arg8[%add3A_54] : memref<768xf32, #tpu.memory_space<vmem>>[vector<16xi32>], vector<16xf32>,
        %add3A_56 = arith.constant 1 : i32
        %add3A_57 = vector.broadcast %add3A_56 : i32 to vector<16xi32>
        %add3A_58 = arith.addi %add3A_45, %add3A_57 : vector<16xi32>
        tpu.vector_store_idx %arg13[%add3A_58], %gather3A_55 : memref<35840xf32, #tpu.memory_space<vmem>>[vector<16xi32>], vector<16xf32>,
        %add3A_59 = arith.constant 2 : i32
        %add3A_60 = vector.broadcast %add3A_59 : i32 to vector<16xi32>
        %add3A_61 = arith.addi %mul3A_38, %add3A_60 : vector<16xi32>
        %gather3A_62 = tpu.vector_load_idx %arg8[%add3A_61] : memref<768xf32, #tpu.memory_space<vmem>>[vector<16xi32>], vector<16xf32>,
        %add3A_63 = arith.constant 2 : i32
        %add3A_64 = vector.broadcast %add3A_63 : i32 to vector<16xi32>
        %add3A_65 = arith.addi %add3A_45, %add3A_64 : vector<16xi32>
        tpu.vector_store_idx %arg13[%add3A_65], %gather3A_62 : memref<35840xf32, #tpu.memory_space<vmem>>[vector<16xi32>], vector<16xf32>,
        %add3A_66 = arith.constant 3 : i32
        %add3A_67 = vector.broadcast %add3A_66 : i32 to vector<16xi32>
        %add3A_68 = arith.addi %mul3A_38, %add3A_67 : vector<16xi32>
        %gather3A_69 = tpu.vector_load_idx %arg8[%add3A_68] : memref<768xf32, #tpu.memory_space<vmem>>[vector<16xi32>], vector<16xf32>,
        %add3A_70 = arith.constant 3 : i32
        %add3A_71 = vector.broadcast %add3A_70 : i32 to vector<16xi32>
        %add3A_72 = arith.addi %add3A_45, %add3A_71 : vector<16xi32>
        tpu.vector_store_idx %arg13[%add3A_72], %gather3A_69 : memref<35840xf32, #tpu.memory_space<vmem>>[vector<16xi32>], vector<16xf32>,
        %add3A_73 = arith.constant 4 : i32
        %add3A_74 = vector.broadcast %add3A_73 : i32 to vector<16xi32>
        %add3A_75 = arith.addi %mul3A_38, %add3A_74 : vector<16xi32>
        %gather3A_76 = tpu.vector_load_idx %arg8[%add3A_75] : memref<768xf32, #tpu.memory_space<vmem>>[vector<16xi32>], vector<16xf32>,
        %add3A_77 = arith.constant 4 : i32
        %add3A_78 = vector.broadcast %add3A_77 : i32 to vector<16xi32>
        %add3A_79 = arith.addi %add3A_45, %add3A_78 : vector<16xi32>
        tpu.vector_store_idx %arg13[%add3A_79], %gather3A_76 : memref<35840xf32, #tpu.memory_space<vmem>>[vector<16xi32>], vector<16xf32>,
        %add3A_80 = arith.constant 5 : i32
        %add3A_81 = vector.broadcast %add3A_80 : i32 to vector<16xi32>
        %add3A_82 = arith.addi %mul3A_38, %add3A_81 : vector<16xi32>
        %gather3A_83 = tpu.vector_load_idx %arg8[%add3A_82] : memref<768xf32, #tpu.memory_space<vmem>>[vector<16xi32>], vector<16xf32>,
        %add3A_84 = arith.constant 5 : i32
        %add3A_85 = vector.broadcast %add3A_84 : i32 to vector<16xi32>
        %add3A_86 = arith.addi %add3A_45, %add3A_85 : vector<16xi32>
        tpu.vector_store_idx %arg13[%add3A_86], %gather3A_83 : memref<35840xf32, #tpu.memory_space<vmem>>[vector<16xi32>], vector<16xf32>,
        %add3A_87 = arith.constant 6 : i32
        %add3A_88 = vector.broadcast %add3A_87 : i32 to vector<16xi32>
        %add3A_89 = arith.addi %mul3A_38, %add3A_88 : vector<16xi32>
        %gather3A_90 = tpu.vector_load_idx %arg8[%add3A_89] : memref<768xf32, #tpu.memory_space<vmem>>[vector<16xi32>], vector<16xf32>,
        %add3A_91 = arith.constant 6 : i32
        %add3A_92 = vector.broadcast %add3A_91 : i32 to vector<16xi32>
        %add3A_93 = arith.addi %add3A_45, %add3A_92 : vector<16xi32>
        tpu.vector_store_idx %arg13[%add3A_93], %gather3A_90 : memref<35840xf32, #tpu.memory_space<vmem>>[vector<16xi32>], vector<16xf32>,
        %add3A_94 = arith.constant 7 : i32
        %add3A_95 = vector.broadcast %add3A_94 : i32 to vector<16xi32>
        %add3A_96 = arith.addi %mul3A_38, %add3A_95 : vector<16xi32>
        %gather3A_97 = tpu.vector_load_idx %arg8[%add3A_96] : memref<768xf32, #tpu.memory_space<vmem>>[vector<16xi32>], vector<16xf32>,
        %add3A_98 = arith.constant 7 : i32
        %add3A_99 = vector.broadcast %add3A_98 : i32 to vector<16xi32>
        %add3A_100 = arith.addi %add3A_45, %add3A_99 : vector<16xi32>
        tpu.vector_store_idx %arg13[%add3A_100], %gather3A_97 : memref<35840xf32, #tpu.memory_space<vmem>>[vector<16xi32>], vector<16xf32>,
        %add3A_101 = arith.constant 8 : i32
        %add3A_102 = vector.broadcast %add3A_101 : i32 to vector<16xi32>
        %add3A_103 = arith.addi %mul3A_38, %add3A_102 : vector<16xi32>
        %gather3A_104 = tpu.vector_load_idx %arg8[%add3A_103] : memref<768xf32, #tpu.memory_space<vmem>>[vector<16xi32>], vector<16xf32>,
        %add3A_105 = arith.constant 8 : i32
        %add3A_106 = vector.broadcast %add3A_105 : i32 to vector<16xi32>
        %add3A_107 = arith.addi %add3A_45, %add3A_106 : vector<16xi32>
        tpu.vector_store_idx %arg13[%add3A_107], %gather3A_104 : memref<35840xf32, #tpu.memory_space<vmem>>[vector<16xi32>], vector<16xf32>,
        %add3A_108 = arith.constant 9 : i32
        %add3A_109 = vector.broadcast %add3A_108 : i32 to vector<16xi32>
        %add3A_110 = arith.addi %mul3A_38, %add3A_109 : vector<16xi32>
        %gather3A_111 = tpu.vector_load_idx %arg8[%add3A_110] : memref<768xf32, #tpu.memory_space<vmem>>[vector<16xi32>], vector<16xf32>,
        %add3A_112 = arith.constant 9 : i32
        %add3A_113 = vector.broadcast %add3A_112 : i32 to vector<16xi32>
        %add3A_114 = arith.addi %add3A_45, %add3A_113 : vector<16xi32>
        tpu.vector_store_idx %arg13[%add3A_114], %gather3A_111 : memref<35840xf32, #tpu.memory_space<vmem>>[vector<16xi32>], vector<16xf32>,
        %add3A_115 = arith.constant 10 : i32
        %add3A_116 = vector.broadcast %add3A_115 : i32 to vector<16xi32>
        %add3A_117 = arith.addi %mul3A_38, %add3A_116 : vector<16xi32>
        %gather3A_118 = tpu.vector_load_idx %arg8[%add3A_117] : memref<768xf32, #tpu.memory_space<vmem>>[vector<16xi32>], vector<16xf32>,
        %add3A_119 = arith.constant 10 : i32
        %add3A_120 = vector.broadcast %add3A_119 : i32 to vector<16xi32>
        %add3A_121 = arith.addi %add3A_45, %add3A_120 : vector<16xi32>
        tpu.vector_store_idx %arg13[%add3A_121], %gather3A_118 : memref<35840xf32, #tpu.memory_space<vmem>>[vector<16xi32>], vector<16xf32>,
        %add3A_122 = arith.constant 11 : i32
        %add3A_123 = vector.broadcast %add3A_122 : i32 to vector<16xi32>
        %add3A_124 = arith.addi %mul3A_38, %add3A_123 : vector<16xi32>
        %gather3A_125 = tpu.vector_load_idx %arg8[%add3A_124] : memref<768xf32, #tpu.memory_space<vmem>>[vector<16xi32>], vector<16xf32>,
        %add3A_126 = arith.constant 11 : i32
        %add3A_127 = vector.broadcast %add3A_126 : i32 to vector<16xi32>
        %add3A_128 = arith.addi %add3A_45, %add3A_127 : vector<16xi32>
        tpu.vector_store_idx %arg13[%add3A_128], %gather3A_125 : memref<35840xf32, #tpu.memory_space<vmem>>[vector<16xi32>], vector<16xf32>,
        %add3A_129 = arith.constant 12 : i32
        %add3A_130 = vector.broadcast %add3A_129 : i32 to vector<16xi32>
        %add3A_131 = arith.addi %mul3A_38, %add3A_130 : vector<16xi32>
        %gather3A_132 = tpu.vector_load_idx %arg8[%add3A_131] : memref<768xf32, #tpu.memory_space<vmem>>[vector<16xi32>], vector<16xf32>,
        %add3A_133 = arith.constant 12 : i32
        %add3A_134 = vector.broadcast %add3A_133 : i32 to vector<16xi32>
        %add3A_135 = arith.addi %add3A_45, %add3A_134 : vector<16xi32>
        tpu.vector_store_idx %arg13[%add3A_135], %gather3A_132 : memref<35840xf32, #tpu.memory_space<vmem>>[vector<16xi32>], vector<16xf32>,
        %add3A_136 = arith.constant 13 : i32
        %add3A_137 = vector.broadcast %add3A_136 : i32 to vector<16xi32>
        %add3A_138 = arith.addi %mul3A_38, %add3A_137 : vector<16xi32>
        %gather3A_139 = tpu.vector_load_idx %arg8[%add3A_138] : memref<768xf32, #tpu.memory_space<vmem>>[vector<16xi32>], vector<16xf32>,
        %add3A_140 = arith.constant 13 : i32
        %add3A_141 = vector.broadcast %add3A_140 : i32 to vector<16xi32>
        %add3A_142 = arith.addi %add3A_45, %add3A_141 : vector<16xi32>
        tpu.vector_store_idx %arg13[%add3A_142], %gather3A_139 : memref<35840xf32, #tpu.memory_space<vmem>>[vector<16xi32>], vector<16xf32>,
        %add3A_143 = arith.constant 14 : i32
        %add3A_144 = vector.broadcast %add3A_143 : i32 to vector<16xi32>
        %add3A_145 = arith.addi %mul3A_38, %add3A_144 : vector<16xi32>
        %gather3A_146 = tpu.vector_load_idx %arg8[%add3A_145] : memref<768xf32, #tpu.memory_space<vmem>>[vector<16xi32>], vector<16xf32>,
        %add3A_147 = arith.constant 14 : i32
        %add3A_148 = vector.broadcast %add3A_147 : i32 to vector<16xi32>
        %add3A_149 = arith.addi %add3A_45, %add3A_148 : vector<16xi32>
        tpu.vector_store_idx %arg13[%add3A_149], %gather3A_146 : memref<35840xf32, #tpu.memory_space<vmem>>[vector<16xi32>], vector<16xf32>,
        %add3A_150 = arith.constant 15 : i32
        %add3A_151 = vector.broadcast %add3A_150 : i32 to vector<16xi32>
        %add3A_152 = arith.addi %mul3A_38, %add3A_151 : vector<16xi32>
        %gather3A_153 = tpu.vector_load_idx %arg8[%add3A_152] : memref<768xf32, #tpu.memory_space<vmem>>[vector<16xi32>], vector<16xf32>,
        %add3A_154 = arith.constant 15 : i32
        %add3A_155 = vector.broadcast %add3A_154 : i32 to vector<16xi32>
        %add3A_156 = arith.addi %add3A_45, %add3A_155 : vector<16xi32>
        tpu.vector_store_idx %arg13[%add3A_156], %gather3A_153 : memref<35840xf32, #tpu.memory_space<vmem>>[vector<16xi32>], vector<16xf32>,
        %add3A_157 = arith.constant 16 : i32
        %add3A_158 = vector.broadcast %add3A_157 : i32 to vector<16xi32>
        %add3A_159 = arith.addi %mul3A_38, %add3A_158 : vector<16xi32>
        %gather3A_160 = tpu.vector_load_idx %arg8[%add3A_159] : memref<768xf32, #tpu.memory_space<vmem>>[vector<16xi32>], vector<16xf32>,
        %add3A_161 = arith.constant 16 : i32
        %add3A_162 = vector.broadcast %add3A_161 : i32 to vector<16xi32>
        %add3A_163 = arith.addi %add3A_45, %add3A_162 : vector<16xi32>
        tpu.vector_store_idx %arg13[%add3A_163], %gather3A_160 : memref<35840xf32, #tpu.memory_space<vmem>>[vector<16xi32>], vector<16xf32>,
        %add3A_164 = arith.constant 17 : i32
        %add3A_165 = vector.broadcast %add3A_164 : i32 to vector<16xi32>
        %add3A_166 = arith.addi %mul3A_38, %add3A_165 : vector<16xi32>
        %gather3A_167 = tpu.vector_load_idx %arg8[%add3A_166] : memref<768xf32, #tpu.memory_space<vmem>>[vector<16xi32>], vector<16xf32>,
        %add3A_168 = arith.constant 17 : i32
        %add3A_169 = vector.broadcast %add3A_168 : i32 to vector<16xi32>
        %add3A_170 = arith.addi %add3A_45, %add3A_169 : vector<16xi32>
        tpu.vector_store_idx %arg13[%add3A_170], %gather3A_167 : memref<35840xf32, #tpu.memory_space<vmem>>[vector<16xi32>], vector<16xf32>,
        %add3A_171 = arith.constant 18 : i32
        %add3A_172 = vector.broadcast %add3A_171 : i32 to vector<16xi32>
        %add3A_173 = arith.addi %mul3A_38, %add3A_172 : vector<16xi32>
        %gather3A_174 = tpu.vector_load_idx %arg8[%add3A_173] : memref<768xf32, #tpu.memory_space<vmem>>[vector<16xi32>], vector<16xf32>,
        %add3A_175 = arith.constant 18 : i32
        %add3A_176 = vector.broadcast %add3A_175 : i32 to vector<16xi32>
        %add3A_177 = arith.addi %add3A_45, %add3A_176 : vector<16xi32>
        tpu.vector_store_idx %arg13[%add3A_177], %gather3A_174 : memref<35840xf32, #tpu.memory_space<vmem>>[vector<16xi32>], vector<16xf32>,
        %add3A_178 = arith.constant 19 : i32
        %add3A_179 = vector.broadcast %add3A_178 : i32 to vector<16xi32>
        %add3A_180 = arith.addi %mul3A_38, %add3A_179 : vector<16xi32>
        %gather3A_181 = tpu.vector_load_idx %arg8[%add3A_180] : memref<768xf32, #tpu.memory_space<vmem>>[vector<16xi32>], vector<16xf32>,
        %add3A_182 = arith.constant 19 : i32
        %add3A_183 = vector.broadcast %add3A_182 : i32 to vector<16xi32>
        %add3A_184 = arith.addi %add3A_45, %add3A_183 : vector<16xi32>
        tpu.vector_store_idx %arg13[%add3A_184], %gather3A_181 : memref<35840xf32, #tpu.memory_space<vmem>>[vector<16xi32>], vector<16xf32>,
        %add3A_185 = arith.constant 20 : i32
        %add3A_186 = vector.broadcast %add3A_185 : i32 to vector<16xi32>
        %add3A_187 = arith.addi %mul3A_38, %add3A_186 : vector<16xi32>
        %gather3A_188 = tpu.vector_load_idx %arg8[%add3A_187] : memref<768xf32, #tpu.memory_space<vmem>>[vector<16xi32>], vector<16xf32>,
        %add3A_189 = arith.constant 20 : i32
        %add3A_190 = vector.broadcast %add3A_189 : i32 to vector<16xi32>
        %add3A_191 = arith.addi %add3A_45, %add3A_190 : vector<16xi32>
        tpu.vector_store_idx %arg13[%add3A_191], %gather3A_188 : memref<35840xf32, #tpu.memory_space<vmem>>[vector<16xi32>], vector<16xf32>,
        %add3A_192 = arith.constant 21 : i32
        %add3A_193 = vector.broadcast %add3A_192 : i32 to vector<16xi32>
        %add3A_194 = arith.addi %mul3A_38, %add3A_193 : vector<16xi32>
        %gather3A_195 = tpu.vector_load_idx %arg8[%add3A_194] : memref<768xf32, #tpu.memory_space<vmem>>[vector<16xi32>], vector<16xf32>,
        %add3A_196 = arith.constant 21 : i32
        %add3A_197 = vector.broadcast %add3A_196 : i32 to vector<16xi32>
        %add3A_198 = arith.addi %add3A_45, %add3A_197 : vector<16xi32>
        tpu.vector_store_idx %arg13[%add3A_198], %gather3A_195 : memref<35840xf32, #tpu.memory_space<vmem>>[vector<16xi32>], vector<16xf32>,
        %add3A_199 = arith.constant 22 : i32
        %add3A_200 = vector.broadcast %add3A_199 : i32 to vector<16xi32>
        %add3A_201 = arith.addi %mul3A_38, %add3A_200 : vector<16xi32>
        %gather3A_202 = tpu.vector_load_idx %arg8[%add3A_201] : memref<768xf32, #tpu.memory_space<vmem>>[vector<16xi32>], vector<16xf32>,
        %add3A_203 = arith.constant 22 : i32
        %add3A_204 = vector.broadcast %add3A_203 : i32 to vector<16xi32>
        %add3A_205 = arith.addi %add3A_45, %add3A_204 : vector<16xi32>
        tpu.vector_store_idx %arg13[%add3A_205], %gather3A_202 : memref<35840xf32, #tpu.memory_space<vmem>>[vector<16xi32>], vector<16xf32>,
        %add3A_206 = arith.constant 23 : i32
        %add3A_207 = vector.broadcast %add3A_206 : i32 to vector<16xi32>
        %add3A_208 = arith.addi %mul3A_38, %add3A_207 : vector<16xi32>
        %gather3A_209 = tpu.vector_load_idx %arg8[%add3A_208] : memref<768xf32, #tpu.memory_space<vmem>>[vector<16xi32>], vector<16xf32>,
        %add3A_210 = arith.constant 23 : i32
        %add3A_211 = vector.broadcast %add3A_210 : i32 to vector<16xi32>
        %add3A_212 = arith.addi %add3A_45, %add3A_211 : vector<16xi32>
        tpu.vector_store_idx %arg13[%add3A_212], %gather3A_209 : memref<35840xf32, #tpu.memory_space<vmem>>[vector<16xi32>], vector<16xf32>,
        %add3A_213 = arith.constant 24 : i32
        %add3A_214 = vector.broadcast %add3A_213 : i32 to vector<16xi32>
        %add3A_215 = arith.addi %mul3A_38, %add3A_214 : vector<16xi32>
        %gather3A_216 = tpu.vector_load_idx %arg8[%add3A_215] : memref<768xf32, #tpu.memory_space<vmem>>[vector<16xi32>], vector<16xf32>,
        %add3A_217 = arith.constant 24 : i32
        %add3A_218 = vector.broadcast %add3A_217 : i32 to vector<16xi32>
        %add3A_219 = arith.addi %add3A_45, %add3A_218 : vector<16xi32>
        tpu.vector_store_idx %arg13[%add3A_219], %gather3A_216 : memref<35840xf32, #tpu.memory_space<vmem>>[vector<16xi32>], vector<16xf32>,
        %add3A_220 = arith.constant 25 : i32
        %add3A_221 = vector.broadcast %add3A_220 : i32 to vector<16xi32>
        %add3A_222 = arith.addi %mul3A_38, %add3A_221 : vector<16xi32>
        %gather3A_223 = tpu.vector_load_idx %arg8[%add3A_222] : memref<768xf32, #tpu.memory_space<vmem>>[vector<16xi32>], vector<16xf32>,
        %add3A_224 = arith.constant 25 : i32
        %add3A_225 = vector.broadcast %add3A_224 : i32 to vector<16xi32>
        %add3A_226 = arith.addi %add3A_45, %add3A_225 : vector<16xi32>
        tpu.vector_store_idx %arg13[%add3A_226], %gather3A_223 : memref<35840xf32, #tpu.memory_space<vmem>>[vector<16xi32>], vector<16xf32>,
        %add3A_227 = arith.constant 26 : i32
        %add3A_228 = vector.broadcast %add3A_227 : i32 to vector<16xi32>
        %add3A_229 = arith.addi %mul3A_38, %add3A_228 : vector<16xi32>
        %gather3A_230 = tpu.vector_load_idx %arg8[%add3A_229] : memref<768xf32, #tpu.memory_space<vmem>>[vector<16xi32>], vector<16xf32>,
        %add3A_231 = arith.constant 26 : i32
        %add3A_232 = vector.broadcast %add3A_231 : i32 to vector<16xi32>
        %add3A_233 = arith.addi %add3A_45, %add3A_232 : vector<16xi32>
        tpu.vector_store_idx %arg13[%add3A_233], %gather3A_230 : memref<35840xf32, #tpu.memory_space<vmem>>[vector<16xi32>], vector<16xf32>,
        %add3A_234 = arith.constant 27 : i32
        %add3A_235 = vector.broadcast %add3A_234 : i32 to vector<16xi32>
        %add3A_236 = arith.addi %mul3A_38, %add3A_235 : vector<16xi32>
        %gather3A_237 = tpu.vector_load_idx %arg8[%add3A_236] : memref<768xf32, #tpu.memory_space<vmem>>[vector<16xi32>], vector<16xf32>,
        %add3A_238 = arith.constant 27 : i32
        %add3A_239 = vector.broadcast %add3A_238 : i32 to vector<16xi32>
        %add3A_240 = arith.addi %add3A_45, %add3A_239 : vector<16xi32>
        tpu.vector_store_idx %arg13[%add3A_240], %gather3A_237 : memref<35840xf32, #tpu.memory_space<vmem>>[vector<16xi32>], vector<16xf32>,
        %add3A_241 = arith.constant 28 : i32
        %add3A_242 = vector.broadcast %add3A_241 : i32 to vector<16xi32>
        %add3A_243 = arith.addi %mul3A_38, %add3A_242 : vector<16xi32>
        %gather3A_244 = tpu.vector_load_idx %arg8[%add3A_243] : memref<768xf32, #tpu.memory_space<vmem>>[vector<16xi32>], vector<16xf32>,
        %add3A_245 = arith.constant 28 : i32
        %add3A_246 = vector.broadcast %add3A_245 : i32 to vector<16xi32>
        %add3A_247 = arith.addi %add3A_45, %add3A_246 : vector<16xi32>
        tpu.vector_store_idx %arg13[%add3A_247], %gather3A_244 : memref<35840xf32, #tpu.memory_space<vmem>>[vector<16xi32>], vector<16xf32>,
        %add3A_248 = arith.constant 29 : i32
        %add3A_249 = vector.broadcast %add3A_248 : i32 to vector<16xi32>
        %add3A_250 = arith.addi %mul3A_38, %add3A_249 : vector<16xi32>
        %gather3A_251 = tpu.vector_load_idx %arg8[%add3A_250] : memref<768xf32, #tpu.memory_space<vmem>>[vector<16xi32>], vector<16xf32>,
        %add3A_252 = arith.constant 29 : i32
        %add3A_253 = vector.broadcast %add3A_252 : i32 to vector<16xi32>
        %add3A_254 = arith.addi %add3A_45, %add3A_253 : vector<16xi32>
        tpu.vector_store_idx %arg13[%add3A_254], %gather3A_251 : memref<35840xf32, #tpu.memory_space<vmem>>[vector<16xi32>], vector<16xf32>,
        %add3A_255 = arith.constant 30 : i32
        %add3A_256 = vector.broadcast %add3A_255 : i32 to vector<16xi32>
        %add3A_257 = arith.addi %mul3A_38, %add3A_256 : vector<16xi32>
        %gather3A_258 = tpu.vector_load_idx %arg8[%add3A_257] : memref<768xf32, #tpu.memory_space<vmem>>[vector<16xi32>], vector<16xf32>,
        %add3A_259 = arith.constant 30 : i32
        %add3A_260 = vector.broadcast %add3A_259 : i32 to vector<16xi32>
        %add3A_261 = arith.addi %add3A_45, %add3A_260 : vector<16xi32>
        tpu.vector_store_idx %arg13[%add3A_261], %gather3A_258 : memref<35840xf32, #tpu.memory_space<vmem>>[vector<16xi32>], vector<16xf32>,
        %add3A_262 = arith.constant 31 : i32
        %add3A_263 = vector.broadcast %add3A_262 : i32 to vector<16xi32>
        %add3A_264 = arith.addi %mul3A_38, %add3A_263 : vector<16xi32>
        %gather3A_265 = tpu.vector_load_idx %arg8[%add3A_264] : memref<768xf32, #tpu.memory_space<vmem>>[vector<16xi32>], vector<16xf32>,
        %add3A_266 = arith.constant 31 : i32
        %add3A_267 = vector.broadcast %add3A_266 : i32 to vector<16xi32>
        %add3A_268 = arith.addi %add3A_45, %add3A_267 : vector<16xi32>
        tpu.vector_store_idx %arg13[%add3A_268], %gather3A_265 : memref<35840xf32, #tpu.memory_space<vmem>>[vector<16xi32>], vector<16xf32>,
        %add3A_269 = arith.constant 0 : i32
        %add3A_270 = vector.broadcast %add3A_269 : i32 to vector<16xi32>
        %add3A_271 = arith.addi %mul3A_41, %add3A_270 : vector<16xi32>
        %gather3A_272 = tpu.vector_load_idx %arg9[%add3A_271] : memref<224xf32, #tpu.memory_space<vmem>>[vector<16xi32>], vector<16xf32>,
        %add3A_273 = arith.constant 32 : i32
        %add3A_274 = vector.broadcast %add3A_273 : i32 to vector<16xi32>
        %add3A_275 = arith.addi %add3A_45, %add3A_274 : vector<16xi32>
        tpu.vector_store_idx %arg13[%add3A_275], %gather3A_272 : memref<35840xf32, #tpu.memory_space<vmem>>[vector<16xi32>], vector<16xf32>,
        %add3A_276 = arith.constant 1 : i32
        %add3A_277 = vector.broadcast %add3A_276 : i32 to vector<16xi32>
        %add3A_278 = arith.addi %mul3A_41, %add3A_277 : vector<16xi32>
        %gather3A_279 = tpu.vector_load_idx %arg9[%add3A_278] : memref<224xf32, #tpu.memory_space<vmem>>[vector<16xi32>], vector<16xf32>,
        %add3A_280 = arith.constant 33 : i32
        %add3A_281 = vector.broadcast %add3A_280 : i32 to vector<16xi32>
        %add3A_282 = arith.addi %add3A_45, %add3A_281 : vector<16xi32>
        tpu.vector_store_idx %arg13[%add3A_282], %gather3A_279 : memref<35840xf32, #tpu.memory_space<vmem>>[vector<16xi32>], vector<16xf32>,
        %add3A_283 = arith.constant 2 : i32
        %add3A_284 = vector.broadcast %add3A_283 : i32 to vector<16xi32>
        %add3A_285 = arith.addi %mul3A_41, %add3A_284 : vector<16xi32>
        %gather3A_286 = tpu.vector_load_idx %arg9[%add3A_285] : memref<224xf32, #tpu.memory_space<vmem>>[vector<16xi32>], vector<16xf32>,
        %add3A_287 = arith.constant 34 : i32
        %add3A_288 = vector.broadcast %add3A_287 : i32 to vector<16xi32>
        %add3A_289 = arith.addi %add3A_45, %add3A_288 : vector<16xi32>
        tpu.vector_store_idx %arg13[%add3A_289], %gather3A_286 : memref<35840xf32, #tpu.memory_space<vmem>>[vector<16xi32>], vector<16xf32>,
        %add3A_290 = arith.constant 3 : i32
        %add3A_291 = vector.broadcast %add3A_290 : i32 to vector<16xi32>
        %add3A_292 = arith.addi %mul3A_41, %add3A_291 : vector<16xi32>
        %gather3A_293 = tpu.vector_load_idx %arg9[%add3A_292] : memref<224xf32, #tpu.memory_space<vmem>>[vector<16xi32>], vector<16xf32>,
        %add3A_294 = arith.constant 35 : i32
        %add3A_295 = vector.broadcast %add3A_294 : i32 to vector<16xi32>
        %add3A_296 = arith.addi %add3A_45, %add3A_295 : vector<16xi32>
        tpu.vector_store_idx %arg13[%add3A_296], %gather3A_293 : memref<35840xf32, #tpu.memory_space<vmem>>[vector<16xi32>], vector<16xf32>,
        %add3A_297 = arith.constant 4 : i32
        %add3A_298 = vector.broadcast %add3A_297 : i32 to vector<16xi32>
        %add3A_299 = arith.addi %mul3A_41, %add3A_298 : vector<16xi32>
        %gather3A_300 = tpu.vector_load_idx %arg9[%add3A_299] : memref<224xf32, #tpu.memory_space<vmem>>[vector<16xi32>], vector<16xf32>,
        %add3A_301 = arith.constant 36 : i32
        %add3A_302 = vector.broadcast %add3A_301 : i32 to vector<16xi32>
        %add3A_303 = arith.addi %add3A_45, %add3A_302 : vector<16xi32>
        tpu.vector_store_idx %arg13[%add3A_303], %gather3A_300 : memref<35840xf32, #tpu.memory_space<vmem>>[vector<16xi32>], vector<16xf32>,
        %add3A_304 = arith.constant 5 : i32
        %add3A_305 = vector.broadcast %add3A_304 : i32 to vector<16xi32>
        %add3A_306 = arith.addi %mul3A_41, %add3A_305 : vector<16xi32>
        %gather3A_307 = tpu.vector_load_idx %arg9[%add3A_306] : memref<224xf32, #tpu.memory_space<vmem>>[vector<16xi32>], vector<16xf32>,
        %add3A_308 = arith.constant 37 : i32
        %add3A_309 = vector.broadcast %add3A_308 : i32 to vector<16xi32>
        %add3A_310 = arith.addi %add3A_45, %add3A_309 : vector<16xi32>
        tpu.vector_store_idx %arg13[%add3A_310], %gather3A_307 : memref<35840xf32, #tpu.memory_space<vmem>>[vector<16xi32>], vector<16xf32>,
        %add3A_311 = arith.constant 6 : i32
        %add3A_312 = vector.broadcast %add3A_311 : i32 to vector<16xi32>
        %add3A_313 = arith.addi %mul3A_41, %add3A_312 : vector<16xi32>
        %gather3A_314 = tpu.vector_load_idx %arg9[%add3A_313] : memref<224xf32, #tpu.memory_space<vmem>>[vector<16xi32>], vector<16xf32>,
        %add3A_315 = arith.constant 38 : i32
        %add3A_316 = vector.broadcast %add3A_315 : i32 to vector<16xi32>
        %add3A_317 = arith.addi %add3A_45, %add3A_316 : vector<16xi32>
        tpu.vector_store_idx %arg13[%add3A_317], %gather3A_314 : memref<35840xf32, #tpu.memory_space<vmem>>[vector<16xi32>], vector<16xf32>,
        %add3A_318 = arith.constant 7 : i32
        %add3A_319 = vector.broadcast %add3A_318 : i32 to vector<16xi32>
        %add3A_320 = arith.addi %mul3A_41, %add3A_319 : vector<16xi32>
        %gather3A_321 = tpu.vector_load_idx %arg9[%add3A_320] : memref<224xf32, #tpu.memory_space<vmem>>[vector<16xi32>], vector<16xf32>,
        %add3A_322 = arith.constant 39 : i32
        %add3A_323 = vector.broadcast %add3A_322 : i32 to vector<16xi32>
        %add3A_324 = arith.addi %add3A_45, %add3A_323 : vector<16xi32>
        tpu.vector_store_idx %arg13[%add3A_324], %gather3A_321 : memref<35840xf32, #tpu.memory_space<vmem>>[vector<16xi32>], vector<16xf32>,
        %add3A_325 = arith.constant 8 : i32
        %add3A_326 = vector.broadcast %add3A_325 : i32 to vector<16xi32>
        %add3A_327 = arith.addi %mul3A_41, %add3A_326 : vector<16xi32>
        %gather3A_328 = tpu.vector_load_idx %arg9[%add3A_327] : memref<224xf32, #tpu.memory_space<vmem>>[vector<16xi32>], vector<16xf32>,
        %add3A_329 = arith.constant 40 : i32
        %add3A_330 = vector.broadcast %add3A_329 : i32 to vector<16xi32>
        %add3A_331 = arith.addi %add3A_45, %add3A_330 : vector<16xi32>
        tpu.vector_store_idx %arg13[%add3A_331], %gather3A_328 : memref<35840xf32, #tpu.memory_space<vmem>>[vector<16xi32>], vector<16xf32>,
        %add3A_332 = arith.constant 9 : i32
        %add3A_333 = vector.broadcast %add3A_332 : i32 to vector<16xi32>
        %add3A_334 = arith.addi %mul3A_41, %add3A_333 : vector<16xi32>
        %gather3A_335 = tpu.vector_load_idx %arg9[%add3A_334] : memref<224xf32, #tpu.memory_space<vmem>>[vector<16xi32>], vector<16xf32>,
        %add3A_336 = arith.constant 41 : i32
        %add3A_337 = vector.broadcast %add3A_336 : i32 to vector<16xi32>
        %add3A_338 = arith.addi %add3A_45, %add3A_337 : vector<16xi32>
        tpu.vector_store_idx %arg13[%add3A_338], %gather3A_335 : memref<35840xf32, #tpu.memory_space<vmem>>[vector<16xi32>], vector<16xf32>,
        %add3A_339 = arith.constant 10 : i32
        %add3A_340 = vector.broadcast %add3A_339 : i32 to vector<16xi32>
        %add3A_341 = arith.addi %mul3A_41, %add3A_340 : vector<16xi32>
        %gather3A_342 = tpu.vector_load_idx %arg9[%add3A_341] : memref<224xf32, #tpu.memory_space<vmem>>[vector<16xi32>], vector<16xf32>,
        %add3A_343 = arith.constant 42 : i32
        %add3A_344 = vector.broadcast %add3A_343 : i32 to vector<16xi32>
        %add3A_345 = arith.addi %add3A_45, %add3A_344 : vector<16xi32>
        tpu.vector_store_idx %arg13[%add3A_345], %gather3A_342 : memref<35840xf32, #tpu.memory_space<vmem>>[vector<16xi32>], vector<16xf32>,
        %add3A_346 = arith.constant 11 : i32
        %add3A_347 = vector.broadcast %add3A_346 : i32 to vector<16xi32>
        %add3A_348 = arith.addi %mul3A_41, %add3A_347 : vector<16xi32>
        %gather3A_349 = tpu.vector_load_idx %arg9[%add3A_348] : memref<224xf32, #tpu.memory_space<vmem>>[vector<16xi32>], vector<16xf32>,
        %add3A_350 = arith.constant 43 : i32
        %add3A_351 = vector.broadcast %add3A_350 : i32 to vector<16xi32>
        %add3A_352 = arith.addi %add3A_45, %add3A_351 : vector<16xi32>
        tpu.vector_store_idx %arg13[%add3A_352], %gather3A_349 : memref<35840xf32, #tpu.memory_space<vmem>>[vector<16xi32>], vector<16xf32>,
        %add3A_353 = arith.constant 12 : i32
        %add3A_354 = vector.broadcast %add3A_353 : i32 to vector<16xi32>
        %add3A_355 = arith.addi %mul3A_41, %add3A_354 : vector<16xi32>
        %gather3A_356 = tpu.vector_load_idx %arg9[%add3A_355] : memref<224xf32, #tpu.memory_space<vmem>>[vector<16xi32>], vector<16xf32>,
        %add3A_357 = arith.constant 44 : i32
        %add3A_358 = vector.broadcast %add3A_357 : i32 to vector<16xi32>
        %add3A_359 = arith.addi %add3A_45, %add3A_358 : vector<16xi32>
        tpu.vector_store_idx %arg13[%add3A_359], %gather3A_356 : memref<35840xf32, #tpu.memory_space<vmem>>[vector<16xi32>], vector<16xf32>,
        %add3A_360 = arith.constant 13 : i32
        %add3A_361 = vector.broadcast %add3A_360 : i32 to vector<16xi32>
        %add3A_362 = arith.addi %mul3A_41, %add3A_361 : vector<16xi32>
        %gather3A_363 = tpu.vector_load_idx %arg9[%add3A_362] : memref<224xf32, #tpu.memory_space<vmem>>[vector<16xi32>], vector<16xf32>,
        %add3A_364 = arith.constant 45 : i32
        %add3A_365 = vector.broadcast %add3A_364 : i32 to vector<16xi32>
        %add3A_366 = arith.addi %add3A_45, %add3A_365 : vector<16xi32>
        tpu.vector_store_idx %arg13[%add3A_366], %gather3A_363 : memref<35840xf32, #tpu.memory_space<vmem>>[vector<16xi32>], vector<16xf32>,
        %add3A_367 = arith.constant 14 : i32
        %add3A_368 = vector.broadcast %add3A_367 : i32 to vector<16xi32>
        %add3A_369 = arith.addi %mul3A_41, %add3A_368 : vector<16xi32>
        %gather3A_370 = tpu.vector_load_idx %arg9[%add3A_369] : memref<224xf32, #tpu.memory_space<vmem>>[vector<16xi32>], vector<16xf32>,
        %add3A_371 = arith.constant 46 : i32
        %add3A_372 = vector.broadcast %add3A_371 : i32 to vector<16xi32>
        %add3A_373 = arith.addi %add3A_45, %add3A_372 : vector<16xi32>
        tpu.vector_store_idx %arg13[%add3A_373], %gather3A_370 : memref<35840xf32, #tpu.memory_space<vmem>>[vector<16xi32>], vector<16xf32>,
        %add3A_374 = arith.constant 15 : i32
        %add3A_375 = vector.broadcast %add3A_374 : i32 to vector<16xi32>
        %add3A_376 = arith.addi %mul3A_41, %add3A_375 : vector<16xi32>
        %gather3A_377 = tpu.vector_load_idx %arg9[%add3A_376] : memref<224xf32, #tpu.memory_space<vmem>>[vector<16xi32>], vector<16xf32>,
        %add3A_378 = arith.constant 47 : i32
        %add3A_379 = vector.broadcast %add3A_378 : i32 to vector<16xi32>
        %add3A_380 = arith.addi %add3A_45, %add3A_379 : vector<16xi32>
        tpu.vector_store_idx %arg13[%add3A_380], %gather3A_377 : memref<35840xf32, #tpu.memory_space<vmem>>[vector<16xi32>], vector<16xf32>,
        %add3A_381 = arith.constant 16 : i32
        %add3A_382 = vector.broadcast %add3A_381 : i32 to vector<16xi32>
        %add3A_383 = arith.addi %mul3A_41, %add3A_382 : vector<16xi32>
        %gather3A_384 = tpu.vector_load_idx %arg9[%add3A_383] : memref<224xf32, #tpu.memory_space<vmem>>[vector<16xi32>], vector<16xf32>,
        %add3A_385 = arith.constant 48 : i32
        %add3A_386 = vector.broadcast %add3A_385 : i32 to vector<16xi32>
        %add3A_387 = arith.addi %add3A_45, %add3A_386 : vector<16xi32>
        tpu.vector_store_idx %arg13[%add3A_387], %gather3A_384 : memref<35840xf32, #tpu.memory_space<vmem>>[vector<16xi32>], vector<16xf32>,
        %add3A_388 = arith.constant 17 : i32
        %add3A_389 = vector.broadcast %add3A_388 : i32 to vector<16xi32>
        %add3A_390 = arith.addi %mul3A_41, %add3A_389 : vector<16xi32>
        %gather3A_391 = tpu.vector_load_idx %arg9[%add3A_390] : memref<224xf32, #tpu.memory_space<vmem>>[vector<16xi32>], vector<16xf32>,
        %add3A_392 = arith.constant 49 : i32
        %add3A_393 = vector.broadcast %add3A_392 : i32 to vector<16xi32>
        %add3A_394 = arith.addi %add3A_45, %add3A_393 : vector<16xi32>
        tpu.vector_store_idx %arg13[%add3A_394], %gather3A_391 : memref<35840xf32, #tpu.memory_space<vmem>>[vector<16xi32>], vector<16xf32>,
        %add3A_395 = arith.constant 18 : i32
        %add3A_396 = vector.broadcast %add3A_395 : i32 to vector<16xi32>
        %add3A_397 = arith.addi %mul3A_41, %add3A_396 : vector<16xi32>
        %gather3A_398 = tpu.vector_load_idx %arg9[%add3A_397] : memref<224xf32, #tpu.memory_space<vmem>>[vector<16xi32>], vector<16xf32>,
        %add3A_399 = arith.constant 50 : i32
        %add3A_400 = vector.broadcast %add3A_399 : i32 to vector<16xi32>
        %add3A_401 = arith.addi %add3A_45, %add3A_400 : vector<16xi32>
        tpu.vector_store_idx %arg13[%add3A_401], %gather3A_398 : memref<35840xf32, #tpu.memory_space<vmem>>[vector<16xi32>], vector<16xf32>,
        %add3A_402 = arith.constant 19 : i32
        %add3A_403 = vector.broadcast %add3A_402 : i32 to vector<16xi32>
        %add3A_404 = arith.addi %mul3A_41, %add3A_403 : vector<16xi32>
        %gather3A_405 = tpu.vector_load_idx %arg9[%add3A_404] : memref<224xf32, #tpu.memory_space<vmem>>[vector<16xi32>], vector<16xf32>,
        %add3A_406 = arith.constant 51 : i32
        %add3A_407 = vector.broadcast %add3A_406 : i32 to vector<16xi32>
        %add3A_408 = arith.addi %add3A_45, %add3A_407 : vector<16xi32>
        tpu.vector_store_idx %arg13[%add3A_408], %gather3A_405 : memref<35840xf32, #tpu.memory_space<vmem>>[vector<16xi32>], vector<16xf32>,
        %add3A_409 = arith.constant 20 : i32
        %add3A_410 = vector.broadcast %add3A_409 : i32 to vector<16xi32>
        %add3A_411 = arith.addi %mul3A_41, %add3A_410 : vector<16xi32>
        %gather3A_412 = tpu.vector_load_idx %arg9[%add3A_411] : memref<224xf32, #tpu.memory_space<vmem>>[vector<16xi32>], vector<16xf32>,
        %add3A_413 = arith.constant 52 : i32
        %add3A_414 = vector.broadcast %add3A_413 : i32 to vector<16xi32>
        %add3A_415 = arith.addi %add3A_45, %add3A_414 : vector<16xi32>
        tpu.vector_store_idx %arg13[%add3A_415], %gather3A_412 : memref<35840xf32, #tpu.memory_space<vmem>>[vector<16xi32>], vector<16xf32>,
        %add3A_416 = arith.constant 21 : i32
        %add3A_417 = vector.broadcast %add3A_416 : i32 to vector<16xi32>
        %add3A_418 = arith.addi %mul3A_41, %add3A_417 : vector<16xi32>
        %gather3A_419 = tpu.vector_load_idx %arg9[%add3A_418] : memref<224xf32, #tpu.memory_space<vmem>>[vector<16xi32>], vector<16xf32>,
        %add3A_420 = arith.constant 53 : i32
        %add3A_421 = vector.broadcast %add3A_420 : i32 to vector<16xi32>
        %add3A_422 = arith.addi %add3A_45, %add3A_421 : vector<16xi32>
        tpu.vector_store_idx %arg13[%add3A_422], %gather3A_419 : memref<35840xf32, #tpu.memory_space<vmem>>[vector<16xi32>], vector<16xf32>,
        %add3A_423 = arith.constant 22 : i32
        %add3A_424 = vector.broadcast %add3A_423 : i32 to vector<16xi32>
        %add3A_425 = arith.addi %mul3A_41, %add3A_424 : vector<16xi32>
        %gather3A_426 = tpu.vector_load_idx %arg9[%add3A_425] : memref<224xf32, #tpu.memory_space<vmem>>[vector<16xi32>], vector<16xf32>,
        %add3A_427 = arith.constant 54 : i32
        %add3A_428 = vector.broadcast %add3A_427 : i32 to vector<16xi32>
        %add3A_429 = arith.addi %add3A_45, %add3A_428 : vector<16xi32>
        tpu.vector_store_idx %arg13[%add3A_429], %gather3A_426 : memref<35840xf32, #tpu.memory_space<vmem>>[vector<16xi32>], vector<16xf32>,
        %add3A_430 = arith.constant 23 : i32
        %add3A_431 = vector.broadcast %add3A_430 : i32 to vector<16xi32>
        %add3A_432 = arith.addi %mul3A_41, %add3A_431 : vector<16xi32>
        %gather3A_433 = tpu.vector_load_idx %arg9[%add3A_432] : memref<224xf32, #tpu.memory_space<vmem>>[vector<16xi32>], vector<16xf32>,
        %add3A_434 = arith.constant 55 : i32
        %add3A_435 = vector.broadcast %add3A_434 : i32 to vector<16xi32>
        %add3A_436 = arith.addi %add3A_45, %add3A_435 : vector<16xi32>
        tpu.vector_store_idx %arg13[%add3A_436], %gather3A_433 : memref<35840xf32, #tpu.memory_space<vmem>>[vector<16xi32>], vector<16xf32>,
        %add3A_437 = arith.constant 24 : i32
        %add3A_438 = vector.broadcast %add3A_437 : i32 to vector<16xi32>
        %add3A_439 = arith.addi %mul3A_41, %add3A_438 : vector<16xi32>
        %gather3A_440 = tpu.vector_load_idx %arg9[%add3A_439] : memref<224xf32, #tpu.memory_space<vmem>>[vector<16xi32>], vector<16xf32>,
        %add3A_441 = arith.constant 56 : i32
        %add3A_442 = vector.broadcast %add3A_441 : i32 to vector<16xi32>
        %add3A_443 = arith.addi %add3A_45, %add3A_442 : vector<16xi32>
        tpu.vector_store_idx %arg13[%add3A_443], %gather3A_440 : memref<35840xf32, #tpu.memory_space<vmem>>[vector<16xi32>], vector<16xf32>,
        %add3A_444 = arith.constant 25 : i32
        %add3A_445 = vector.broadcast %add3A_444 : i32 to vector<16xi32>
        %add3A_446 = arith.addi %mul3A_41, %add3A_445 : vector<16xi32>
        %gather3A_447 = tpu.vector_load_idx %arg9[%add3A_446] : memref<224xf32, #tpu.memory_space<vmem>>[vector<16xi32>], vector<16xf32>,
        %add3A_448 = arith.constant 57 : i32
        %add3A_449 = vector.broadcast %add3A_448 : i32 to vector<16xi32>
        %add3A_450 = arith.addi %add3A_45, %add3A_449 : vector<16xi32>
        tpu.vector_store_idx %arg13[%add3A_450], %gather3A_447 : memref<35840xf32, #tpu.memory_space<vmem>>[vector<16xi32>], vector<16xf32>,
        %add3A_451 = arith.constant 26 : i32
        %add3A_452 = vector.broadcast %add3A_451 : i32 to vector<16xi32>
        %add3A_453 = arith.addi %mul3A_41, %add3A_452 : vector<16xi32>
        %gather3A_454 = tpu.vector_load_idx %arg9[%add3A_453] : memref<224xf32, #tpu.memory_space<vmem>>[vector<16xi32>], vector<16xf32>,
        %add3A_455 = arith.constant 58 : i32
        %add3A_456 = vector.broadcast %add3A_455 : i32 to vector<16xi32>
        %add3A_457 = arith.addi %add3A_45, %add3A_456 : vector<16xi32>
        tpu.vector_store_idx %arg13[%add3A_457], %gather3A_454 : memref<35840xf32, #tpu.memory_space<vmem>>[vector<16xi32>], vector<16xf32>,
        %add3A_458 = arith.constant 27 : i32
        %add3A_459 = vector.broadcast %add3A_458 : i32 to vector<16xi32>
        %add3A_460 = arith.addi %mul3A_41, %add3A_459 : vector<16xi32>
        %gather3A_461 = tpu.vector_load_idx %arg9[%add3A_460] : memref<224xf32, #tpu.memory_space<vmem>>[vector<16xi32>], vector<16xf32>,
        %add3A_462 = arith.constant 59 : i32
        %add3A_463 = vector.broadcast %add3A_462 : i32 to vector<16xi32>
        %add3A_464 = arith.addi %add3A_45, %add3A_463 : vector<16xi32>
        tpu.vector_store_idx %arg13[%add3A_464], %gather3A_461 : memref<35840xf32, #tpu.memory_space<vmem>>[vector<16xi32>], vector<16xf32>,
        %add3A_465 = arith.constant 28 : i32
        %add3A_466 = vector.broadcast %add3A_465 : i32 to vector<16xi32>
        %add3A_467 = arith.addi %mul3A_41, %add3A_466 : vector<16xi32>
        %gather3A_468 = tpu.vector_load_idx %arg9[%add3A_467] : memref<224xf32, #tpu.memory_space<vmem>>[vector<16xi32>], vector<16xf32>,
        %add3A_469 = arith.constant 60 : i32
        %add3A_470 = vector.broadcast %add3A_469 : i32 to vector<16xi32>
        %add3A_471 = arith.addi %add3A_45, %add3A_470 : vector<16xi32>
        tpu.vector_store_idx %arg13[%add3A_471], %gather3A_468 : memref<35840xf32, #tpu.memory_space<vmem>>[vector<16xi32>], vector<16xf32>,
        %add3A_472 = arith.constant 29 : i32
        %add3A_473 = vector.broadcast %add3A_472 : i32 to vector<16xi32>
        %add3A_474 = arith.addi %mul3A_41, %add3A_473 : vector<16xi32>
        %gather3A_475 = tpu.vector_load_idx %arg9[%add3A_474] : memref<224xf32, #tpu.memory_space<vmem>>[vector<16xi32>], vector<16xf32>,
        %add3A_476 = arith.constant 61 : i32
        %add3A_477 = vector.broadcast %add3A_476 : i32 to vector<16xi32>
        %add3A_478 = arith.addi %add3A_45, %add3A_477 : vector<16xi32>
        tpu.vector_store_idx %arg13[%add3A_478], %gather3A_475 : memref<35840xf32, #tpu.memory_space<vmem>>[vector<16xi32>], vector<16xf32>,
        %add3A_479 = arith.constant 30 : i32
        %add3A_480 = vector.broadcast %add3A_479 : i32 to vector<16xi32>
        %add3A_481 = arith.addi %mul3A_41, %add3A_480 : vector<16xi32>
        %gather3A_482 = tpu.vector_load_idx %arg9[%add3A_481] : memref<224xf32, #tpu.memory_space<vmem>>[vector<16xi32>], vector<16xf32>,
        %add3A_483 = arith.constant 62 : i32
        %add3A_484 = vector.broadcast %add3A_483 : i32 to vector<16xi32>
        %add3A_485 = arith.addi %add3A_45, %add3A_484 : vector<16xi32>
        tpu.vector_store_idx %arg13[%add3A_485], %gather3A_482 : memref<35840xf32, #tpu.memory_space<vmem>>[vector<16xi32>], vector<16xf32>,
        %add3A_486 = arith.constant 31 : i32
        %add3A_487 = vector.broadcast %add3A_486 : i32 to vector<16xi32>
        %add3A_488 = arith.addi %mul3A_41, %add3A_487 : vector<16xi32>
        %gather3A_489 = tpu.vector_load_idx %arg9[%add3A_488] : memref<224xf32, #tpu.memory_space<vmem>>[vector<16xi32>], vector<16xf32>,
        %add3A_490 = arith.constant 63 : i32
        %add3A_491 = vector.broadcast %add3A_490 : i32 to vector<16xi32>
        %add3A_492 = arith.addi %add3A_45, %add3A_491 : vector<16xi32>
        tpu.vector_store_idx %arg13[%add3A_492], %gather3A_489 : memref<35840xf32, #tpu.memory_space<vmem>>[vector<16xi32>], vector<16xf32>,
        %convert_element_type3A = arith.fptosi %get3A_35 : vector<16xf32> to vector<16xi32>
        %convert_element_type3A_493 = arith.sitofp %convert_element_type3A : vector<16xi32> to vector<16xf32>
        %sub3A = arith.subf %get3A_35, %convert_element_type3A_493 : vector<16xf32>
        %sub3A_494 = arith.constant 5.000000e-01 : f32
        %sub3A_495 = vector.broadcast %sub3A_494 : f32 to vector<16xf32>
        %sub3A_496 = arith.subf %sub3A, %sub3A_495 : vector<16xf32>
        %abs3A = math.absf %sub3A_496 : vector<16xf32>
        %sub3A_497 = arith.constant 5.000000e-01 : f32
        %sub3A_498 = vector.broadcast %sub3A_497 : f32 to vector<16xf32>
        %sub3A_499 = arith.subf %sub3A_498, %abs3A : vector<16xf32>
        %min3A = arith.minimumf %abs3A, %sub3A_499 : vector<16xf32>
        %sign3A = tpu.bitcast %sub3A_496 : vector<16xf32> -> vector<16xi32>
        %sign3A_500 = arith.constant -2147483648 : i32
        %sign3A_501 = vector.broadcast %sign3A_500 : i32 to vector<16xi32>
        %sign3A_502 = arith.andi %sign3A, %sign3A_501 : vector<16xi32>
        %sign3A_503 = arith.constant 1065353216 : i32
        %sign3A_504 = vector.broadcast %sign3A_503 : i32 to vector<16xi32>
        %sign3A_505 = arith.ori %sign3A_504, %sign3A_502 : vector<16xi32>
        %sign3A_506 = tpu.bitcast %sign3A_505 : vector<16xi32> -> vector<16xf32>
        %sign3A_507 = math.absf %sub3A_496 : vector<16xf32>
        %sign3A_508 = arith.constant 0.000000e+00 : f32
        %sign3A_509 = vector.broadcast %sign3A_508 : f32 to vector<16xf32>
        %sign3A_510 = arith.cmpf ogt, %sign3A_507, %sign3A_509 : vector<16xf32>
        %sign3A_511 = arith.select %sign3A_510, %sign3A_506, %sub3A_496 : vector<16xi1>, vector<16xf32>
        %mul3A_512 = arith.mulf %min3A, %sign3A_511 : vector<16xf32>
        %mul3A_513 = arith.mulf %mul3A_512, %mul3A_512 : vector<16xf32>
        %mul3A_514 = arith.constant 42.0586929 : f32
        %mul3A_515 = vector.broadcast %mul3A_514 : f32 to vector<16xf32>
        %mul3A_516 = arith.mulf %mul3A_515, %mul3A_513 : vector<16xf32>
        %add3A_517 = arith.constant -76.7058563 : f32
        %add3A_518 = vector.broadcast %add3A_517 : f32 to vector<16xf32>
        %add3A_519 = arith.addf %mul3A_516, %add3A_518 : vector<16xf32>
        %mul3A_520 = arith.mulf %add3A_519, %mul3A_513 : vector<16xf32>
        %add3A_521 = arith.constant 81.6052475 : f32
        %add3A_522 = vector.broadcast %add3A_521 : f32 to vector<16xf32>
        %add3A_523 = arith.addf %mul3A_520, %add3A_522 : vector<16xf32>
        %mul3A_524 = arith.mulf %add3A_523, %mul3A_513 : vector<16xf32>
        %add3A_525 = arith.constant -4.134170e+01 : f32
        %add3A_526 = vector.broadcast %add3A_525 : f32 to vector<16xf32>
        %add3A_527 = arith.addf %mul3A_524, %add3A_526 : vector<16xf32>
        %mul3A_528 = arith.mulf %add3A_527, %mul3A_513 : vector<16xf32>
        %add3A_529 = arith.constant 6.28318548 : f32
        %add3A_530 = vector.broadcast %add3A_529 : f32 to vector<16xf32>
        %add3A_531 = arith.addf %mul3A_528, %add3A_530 : vector<16xf32>
        %mul3A_532 = arith.mulf %add3A_531, %mul3A_512 : vector<16xf32>
        %neg3A = arith.constant 0.000000e+00 : f32
        %neg3A_533 = vector.broadcast %neg3A : f32 to vector<16xf32>
        %neg3A_534 = arith.subf %neg3A_533, %mul3A_532 : vector<16xf32>
        %add3A_535 = arith.constant 2.500000e-01 : f32
        %add3A_536 = vector.broadcast %add3A_535 : f32 to vector<16xf32>
        %add3A_537 = arith.addf %get3A_35, %add3A_536 : vector<16xf32>
        %convert_element_type3A_538 = arith.fptosi %add3A_537 : vector<16xf32> to vector<16xi32>
        %convert_element_type3A_539 = arith.sitofp %convert_element_type3A_538 : vector<16xi32> to vector<16xf32>
        %sub3A_540 = arith.subf %add3A_537, %convert_element_type3A_539 : vector<16xf32>
        %sub3A_541 = arith.constant 5.000000e-01 : f32
        %sub3A_542 = vector.broadcast %sub3A_541 : f32 to vector<16xf32>
        %sub3A_543 = arith.subf %sub3A_540, %sub3A_542 : vector<16xf32>
        %abs3A_544 = math.absf %sub3A_543 : vector<16xf32>
        %sub3A_545 = arith.constant 5.000000e-01 : f32
        %sub3A_546 = vector.broadcast %sub3A_545 : f32 to vector<16xf32>
        %sub3A_547 = arith.subf %sub3A_546, %abs3A_544 : vector<16xf32>
        %min3A_548 = arith.minimumf %abs3A_544, %sub3A_547 : vector<16xf32>
        %sign3A_549 = tpu.bitcast %sub3A_543 : vector<16xf32> -> vector<16xi32>
        %sign3A_550 = arith.constant -2147483648 : i32
        %sign3A_551 = vector.broadcast %sign3A_550 : i32 to vector<16xi32>
        %sign3A_552 = arith.andi %sign3A_549, %sign3A_551 : vector<16xi32>
        %sign3A_553 = arith.constant 1065353216 : i32
        %sign3A_554 = vector.broadcast %sign3A_553 : i32 to vector<16xi32>
        %sign3A_555 = arith.ori %sign3A_554, %sign3A_552 : vector<16xi32>
        %sign3A_556 = tpu.bitcast %sign3A_555 : vector<16xi32> -> vector<16xf32>
        %sign3A_557 = math.absf %sub3A_543 : vector<16xf32>
        %sign3A_558 = arith.constant 0.000000e+00 : f32
        %sign3A_559 = vector.broadcast %sign3A_558 : f32 to vector<16xf32>
        %sign3A_560 = arith.cmpf ogt, %sign3A_557, %sign3A_559 : vector<16xf32>
        %sign3A_561 = arith.select %sign3A_560, %sign3A_556, %sub3A_543 : vector<16xi1>, vector<16xf32>
        %mul3A_562 = arith.mulf %min3A_548, %sign3A_561 : vector<16xf32>
        %mul3A_563 = arith.mulf %mul3A_562, %mul3A_562 : vector<16xf32>
        %mul3A_564 = arith.constant 42.0586929 : f32
        %mul3A_565 = vector.broadcast %mul3A_564 : f32 to vector<16xf32>
        %mul3A_566 = arith.mulf %mul3A_565, %mul3A_563 : vector<16xf32>
        %add3A_567 = arith.constant -76.7058563 : f32
        %add3A_568 = vector.broadcast %add3A_567 : f32 to vector<16xf32>
        %add3A_569 = arith.addf %mul3A_566, %add3A_568 : vector<16xf32>
        %mul3A_570 = arith.mulf %add3A_569, %mul3A_563 : vector<16xf32>
        %add3A_571 = arith.constant 81.6052475 : f32
        %add3A_572 = vector.broadcast %add3A_571 : f32 to vector<16xf32>
        %add3A_573 = arith.addf %mul3A_570, %add3A_572 : vector<16xf32>
        %mul3A_574 = arith.mulf %add3A_573, %mul3A_563 : vector<16xf32>
        %add3A_575 = arith.constant -4.134170e+01 : f32
        %add3A_576 = vector.broadcast %add3A_575 : f32 to vector<16xf32>
        %add3A_577 = arith.addf %mul3A_574, %add3A_576 : vector<16xf32>
        %mul3A_578 = arith.mulf %add3A_577, %mul3A_563 : vector<16xf32>
        %add3A_579 = arith.constant 6.28318548 : f32
        %add3A_580 = vector.broadcast %add3A_579 : f32 to vector<16xf32>
        %add3A_581 = arith.addf %mul3A_578, %add3A_580 : vector<16xf32>
        %mul3A_582 = arith.mulf %add3A_581, %mul3A_562 : vector<16xf32>
        %neg3A_583 = arith.constant 0.000000e+00 : f32
        %neg3A_584 = vector.broadcast %neg3A_583 : f32 to vector<16xf32>
        %neg3A_585 = arith.subf %neg3A_584, %mul3A_582 : vector<16xf32>
        %mul3A_586 = arith.constant 2.000000e+00 : f32
        %mul3A_587 = vector.broadcast %mul3A_586 : f32 to vector<16xf32>
        %mul3A_588 = arith.mulf %mul3A_587, %neg3A_534 : vector<16xf32>
        %mul3A_589 = arith.mulf %mul3A_588, %neg3A_585 : vector<16xf32>
        %mul3A_590 = arith.constant 2.000000e+00 : f32
        %mul3A_591 = vector.broadcast %mul3A_590 : f32 to vector<16xf32>
        %mul3A_592 = arith.mulf %mul3A_591, %neg3A_534 : vector<16xf32>
        %mul3A_593 = arith.mulf %mul3A_592, %neg3A_534 : vector<16xf32>
        %sub3A_594 = arith.constant 1.000000e+00 : f32
        %sub3A_595 = vector.broadcast %sub3A_594 : f32 to vector<16xf32>
        %sub3A_596 = arith.subf %sub3A_595, %mul3A_593 : vector<16xf32>
        %mul3A_597 = arith.constant 2.000000e+00 : f32
        %mul3A_598 = vector.broadcast %mul3A_597 : f32 to vector<16xf32>
        %mul3A_599 = arith.mulf %mul3A_598, %mul3A_589 : vector<16xf32>
        %mul3A_600 = arith.mulf %mul3A_599, %sub3A_596 : vector<16xf32>
        %mul3A_601 = arith.constant 2.000000e+00 : f32
        %mul3A_602 = vector.broadcast %mul3A_601 : f32 to vector<16xf32>
        %mul3A_603 = arith.mulf %mul3A_602, %mul3A_589 : vector<16xf32>
        %mul3A_604 = arith.mulf %mul3A_603, %mul3A_589 : vector<16xf32>
        %sub3A_605 = arith.constant 1.000000e+00 : f32
        %sub3A_606 = vector.broadcast %sub3A_605 : f32 to vector<16xf32>
        %sub3A_607 = arith.subf %sub3A_606, %mul3A_604 : vector<16xf32>
        %add3A_608 = arith.constant 64 : i32
        %add3A_609 = vector.broadcast %add3A_608 : i32 to vector<16xi32>
        %add3A_610 = arith.addi %add3A_45, %add3A_609 : vector<16xi32>
        tpu.vector_store_idx %arg13[%add3A_610], %neg3A_534 : memref<35840xf32, #tpu.memory_space<vmem>>[vector<16xi32>], vector<16xf32>,
        %add3A_611 = arith.constant 65 : i32
        %add3A_612 = vector.broadcast %add3A_611 : i32 to vector<16xi32>
        %add3A_613 = arith.addi %add3A_45, %add3A_612 : vector<16xi32>
        tpu.vector_store_idx %arg13[%add3A_613], %neg3A_585 : memref<35840xf32, #tpu.memory_space<vmem>>[vector<16xi32>], vector<16xf32>,
        %add3A_614 = arith.constant 66 : i32
        %add3A_615 = vector.broadcast %add3A_614 : i32 to vector<16xi32>
        %add3A_616 = arith.addi %add3A_45, %add3A_615 : vector<16xi32>
        tpu.vector_store_idx %arg13[%add3A_616], %mul3A_589 : memref<35840xf32, #tpu.memory_space<vmem>>[vector<16xi32>], vector<16xf32>,
        %add3A_617 = arith.constant 67 : i32
        %add3A_618 = vector.broadcast %add3A_617 : i32 to vector<16xi32>
        %add3A_619 = arith.addi %add3A_45, %add3A_618 : vector<16xi32>
        tpu.vector_store_idx %arg13[%add3A_619], %sub3A_596 : memref<35840xf32, #tpu.memory_space<vmem>>[vector<16xi32>], vector<16xf32>,
        %add3A_620 = arith.constant 68 : i32
        %add3A_621 = vector.broadcast %add3A_620 : i32 to vector<16xi32>
        %add3A_622 = arith.addi %add3A_45, %add3A_621 : vector<16xi32>
        tpu.vector_store_idx %arg13[%add3A_622], %mul3A_600 : memref<35840xf32, #tpu.memory_space<vmem>>[vector<16xi32>], vector<16xf32>,
        %add3A_623 = arith.constant 69 : i32
        %add3A_624 = vector.broadcast %add3A_623 : i32 to vector<16xi32>
        %add3A_625 = arith.addi %add3A_45, %add3A_624 : vector<16xi32>
        tpu.vector_store_idx %arg13[%add3A_625], %sub3A_607 : memref<35840xf32, #tpu.memory_space<vmem>>[vector<16xi32>], vector<16xf32>,
        %scan3A_626 = arith.constant 0 : i32
        scf.yield %scan3A_626 : i32
      }
      %scan3A_23 = arith.constant 32 : i32
      %mul3A_24 = arith.constant 70 : i32
      %mul3A_25 = arith.muli %add3A_16, %mul3A_24 : i32
      "tpu.region"() ({
        %run_scoped3A = tpu.sem_alloc : memref<!tpu.dma_semaphore, #tpu.memory_space<semaphore_mem>>
        %dma_start3A = tpu.memref_slice %arg7[%mul3A_25] : memref<229376000xf32, #tpu.memory_space<hbm>> -> memref<35840xf32, #tpu.memory_space<hbm>>
        %dma_start3A_27 = tpu.memref_slice %arg7[%mul3A_25] : memref<229376000xf32, #tpu.memory_space<hbm>> -> memref<35840xf32, #tpu.memory_space<hbm>>
        tpu.enqueue_dma source(%arg13 : memref<35840xf32, #tpu.memory_space<vmem>>) target(%dma_start3A_27 : memref<35840xf32, #tpu.memory_space<hbm>>) target_semaphore(%run_scoped3A : memref<!tpu.dma_semaphore, #tpu.memory_space<semaphore_mem>>)
        %dma_wait3A = tpu.memref_slice %arg7[%mul3A_25] : memref<229376000xf32, #tpu.memory_space<hbm>> -> memref<35840xf32, #tpu.memory_space<hbm>>
        %dma_wait3A_28 = tpu.memref_slice %arg7[%mul3A_25] : memref<229376000xf32, #tpu.memory_space<hbm>> -> memref<35840xf32, #tpu.memory_space<hbm>>
        tpu.wait_dma2 semaphore(%run_scoped3A : memref<!tpu.dma_semaphore, #tpu.memory_space<semaphore_mem>>) src(%arg13 : memref<35840xf32, #tpu.memory_space<vmem>>) dst(%dma_wait3A_28 : memref<35840xf32, #tpu.memory_space<hbm>>)
        tpu.yield
      }) : () -> ()
      %scan3A_26 = arith.constant 0 : i32
      scf.yield %scan3A_26 : i32
    }
    %scan3A_11 = arith.constant 200 : i32
    return
  }
}

</mosaic_0001>

<sc_bundles>
// kernel: kernel.3.cloned.1.call-start
scs
__scs_entry_jumppad:
0x0: {  	(pc) =	sbr.rel $0x88, $3  }
0x1: {  	(tag) =	ssettag $0x0;
	lr =	simm.s32 $0x1  }
0x2: {  	[smem:$0x3F9C] =	sst lr;
	_ =	strace $0xD0000000  }
0x3: {  	_ = 	snop  }
0x4: {  	_ = 	snop  }
0x5: {  	_ = 	snop  }
0x6: {  	_ = 	snop  }
0x7: {  	_ = 	snop  }
__scs_overlays_trampoline_lowered:
0x8: {  	[smem:$0x3FAB] =	sst s0  }
0x9: {  	[smem:$0x3FAC] =	sst s1  }
0xa: {  	[smem:$0x3FAD] =	sst s2  }
0xb: {  	[smem:$0x3FAE] =	sst s3  }
0xc: {  	[smem:$0x3FAF] =	sst s4  }
0xd: {  	[smem:$0x3FB0] =	sst s5  }
0xe: {  	[smem:$0x3FB1] =	sst s6  }
0xf: {  	[smem:$0x3FB2] =	sst s7  }
0x10: {  	[smem:$0x3FB3] =	sst s8  }
0x11: {  	[smem:$0x3FB4] =	sst s9;
	s0 =	simm.s32 @!p0 $0x0  }
0x12: {  	s1 =	sld [smem:$0x3F9A];
	s0 =	simm.s32 @p0 $0x1  }
0x13: {  	[smem:$0x3FB5] =	sst s0;
	s0 =	simm.s32 @!p1 $0x0  }
0x14: {  	s2 =	sld [smem:$0x3F99];
	s0 =	simm.s32 @p1 $0x1  }
0x15: {  	[smem:$0x3FB6] =	sst s0;
	s0 =	simm.s32 @!p2 $0x0  }
0x16: {  	s3 =	sld [smem:$0x3FDB];
	s0 =	simm.s32 @p2 $0x1  }
0x17: {  	s4 =	simm.s32 $0x1BF5;
	[smem:$0x3FB8] =	sst s0  }
0x18: {  	s0 =	sld [smem:$0x3F9B];
	_ =	swait.ge [sflag:s4], $0x0  }
0x19: {  	s7 =	sld [smem:$0x3F9C]  }
0x1a: {  	s8 =	sadd.s32 $0xFFFFE003, lr  }
0x1b: {  	s9 =	sadd.s32 $0xFFFFFEF7, lr;
	s5 =	simm.s32 $0xFFFFFFFF;
	p2 =	slt.u32 s8, $0xFFFFF086  }
0x1c: {  	p1 =	slt.u32 s9, $0xF7A;
	s5 =	simm.s32 @!p2 $0x0  }
0x1d: {  	s5 =	simm.s32 @p1 $0x1;
	p0 =	seq.s32 s7, s2  }
0x1e: {  	s7 =	smul.u32 @!p0 $0xF7A, s2;
	p2 =	seq.s32 @!p0 s5, $0x0  }
0x1f: {  	s9 =	smul.u32 $0xF7A, s1;
	s8 =	simm.s32 @!p0 $0x1BF5;
	p2 =	por !p2, p0  }
0x20: {  	[sflag:s8] =	ssyncset.s32 @!p0 $0xFFFFF086;
	s6 =	sadd.s32 @!p0 s3, s7;
	s7 =	simm.s32 @!p0 $0x108  }
0x21: {  	s3 =	sadd.s32 s3, s9;
	s6 =	sadd.s32 @!p0 $0x88, s6;
	s7 =	simm.s32 @p2 $0x1082  }
0x22: {  	[simem:s7], [sflag:s8] =	dma.local @!p0 [hbm:s6], $0xF7A  }
0x23: {  	s9 =	sor.u32 $0xD0000000, s2;
	s6 =	simm.s32 $0x108;
	_ =	swait.ge @!p0 [sflag:s8], $0x0  }
0x24: {  	s3 =	sadd.s32 $0x88, s3;
	s6 =	simm.s32 @!p1 $0x1082;
	[sflag:s4] =	ssyncset.s32 $0xFFFFF086  }
0x25: {  	[simem:s6], [sflag:s4] =	dma.local [hbm:s3], $0xF7A  }
0x26: {  	[smem:$0x3F9C] =	sst s1;
	(tag) =	ssettag s2;
	_ =	strace s9  }
0x27: {  	s1 =	sld [smem:$0x3FAC]  }
0x28: {  	s2 =	sld [smem:$0x3FAD]  }
0x29: {  	s4 =	sld [smem:$0x3FAF]  }
0x2a: {  	p0 =	seq.s32 s5, $0x0;
	s5 =	sld [smem:$0x3FB0]  }
0x2b: {  	s6 =	sld [smem:$0x3FB1]  }
0x2c: {  	s7 =	sld [smem:$0x3FB2]  }
0x2d: {  	s3 =	simm.s32 $0x108;
	s8 =	sld [smem:$0x3FB3]  }
0x2e: {  	s3 =	simm.s32 @!p0 $0x1082;
	s9 =	sld [smem:$0x3FB4]  }
0x2f: {  	lr =	sadd.s32 s0, s3;
	s0 =	sld [smem:$0x3FAB]  }
0x30: {  	s3 =	sld [smem:$0x3FAE]  }
0x31: {  	[smem:$0x3FB7] =	sst s10  }
0x32: {  	s10 =	sld [smem:$0x3FB5];
	_ =	sdelay $0x3  }
0x33: {  	p0 =	seq.s32 s10, $0x1;
	s10 =	sld [smem:$0x3FB7];
	_ =	sdelay $0x3  }
0x34: {  	[smem:$0x3FB7] =	sst s10  }
0x35: {  	s10 =	sld [smem:$0x3FB6];
	_ =	sdelay $0x3  }
0x36: {  	p1 =	seq.s32 s10, $0x1;
	s10 =	sld [smem:$0x3FB7];
	_ =	sdelay $0x3  }
0x37: {  	[smem:$0x3FB7] =	sst s10  }
0x38: {  	s10 =	sld [smem:$0x3FB8]  }
0x39: {  	_ = 	snop;
	(pc) =	sbr.ind lr, $3  }
0x3a: {  	_ = 	snop  }
0x3b: {  	_ = 	snop  }
0x3c: {  	p2 =	seq.s32 s10, $0x1;
	s10 =	sld [smem:$0x3FB7]  }
0x3d: {  	_ =	shalt  }
0x3e: {  	_ =	shalt  }
0x3f: {  	_ =	shalt  }
0x40: {  	_ =	shalt  }
0x41: {  	_ =	shalt  }
0x42: {  	_ =	shalt  }
0x43: {  	_ =	shalt  }
0x44: {  	_ =	shalt  }
0x45: {  	_ =	shalt  }
0x46: {  	_ =	shalt  }
0x47: {  	_ =	shalt  }
0x48: {  	_ =	shalt  }
0x49: {  	_ =	shalt  }
0x4a: {  	_ =	shalt  }
0x4b: {  	_ =	shalt  }
0x4c: {  	_ =	shalt  }
0x4d: {  	_ =	shalt  }
0x4e: {  	_ =	shalt  }
0x4f: {  	_ =	shalt  }
0x50: {  	_ =	shalt  }
0x51: {  	_ =	shalt  }
0x52: {  	_ =	shalt  }
0x53: {  	_ =	shalt  }
0x54: {  	_ =	shalt  }
0x55: {  	_ =	shalt  }
0x56: {  	_ =	shalt  }
0x57: {  	_ =	shalt  }
0x58: {  	_ =	shalt  }
0x59: {  	_ =	shalt  }
0x5a: {  	_ =	shalt  }
0x5b: {  	_ =	shalt  }
0x5c: {  	_ =	shalt  }
0x5d: {  	_ =	shalt  }
0x5e: {  	_ =	shalt  }
0x5f: {  	_ =	shalt  }
0x60: {  	_ =	shalt  }
0x61: {  	_ =	shalt  }
0x62: {  	_ =	shalt  }
0x63: {  	_ =	shalt  }
0x64: {  	_ =	shalt  }
0x65: {  	_ =	shalt  }
0x66: {  	_ =	shalt  }
0x67: {  	_ =	shalt  }
0x68: {  	_ =	shalt  }
0x69: {  	_ =	shalt  }
0x6a: {  	_ =	shalt  }
0x6b: {  	_ =	shalt  }
0x6c: {  	_ =	shalt  }
0x6d: {  	_ =	shalt  }
0x6e: {  	_ =	shalt  }
0x6f: {  	_ =	shalt  }
0x70: {  	_ =	shalt  }
0x71: {  	_ =	shalt  }
0x72: {  	_ =	shalt  }
0x73: {  	_ =	shalt  }
0x74: {  	_ =	shalt  }
0x75: {  	_ =	shalt  }
0x76: {  	_ =	shalt  }
0x77: {  	_ =	shalt  }
0x78: {  	_ =	shalt  }
0x79: {  	_ =	shalt  }
0x7a: {  	_ =	shalt  }
0x7b: {  	_ =	shalt  }
0x7c: {  	_ =	shalt  }
0x7d: {  	_ =	shalt  }
0x7e: {  	_ =	shalt  }
0x7f: {  	_ =	shalt  }
0x80: {  	_ =	shalt  }
0x81: {  	_ =	shalt  }
0x82: {  	_ =	shalt  }
0x83: {  	_ =	shalt  }
0x84: {  	_ =	shalt  }
0x85: {  	_ =	shalt  }
0x86: {  	_ =	shalt  }
0x87: {  	_ =	shalt  }
.Lfunc_end0:
.L_simem_size_0:
called_computation.1_lowered:
.L_overlay_start_0:
0x88: {  	s2 =	sld [smem:$0x3FD9]  }
0x89: {  	s3 =	sld [smem:$0x3FFE];
	_ =	sdelay $0x1  }
0x8a: {  	s1 =	srdreg.scid  }
0x8b: {  	s0 =	sand.u32 $0x1, s1  }
0x8c: {  	s17 =	sshll.u32 s0, $0xA;
	s2 =	sadd.s32 s3, s2  }
0x8d: {  	s2 =	sadd.s32 s2, s17  }
0x8e: {  	[smem:$0x3FC3] =	sst s2  }
0x8f: {  	_ = 	snop  }
0x90: {  	s2 =	sld [smem:$0x3FD0];
	(tm) =	ssettm $0x1  }
0x91: {  	s18 =	sld [smem:$0x3FFB];
	_ =	sdelay $0x3  }
0x92: {  	_ =	strace s18  }
0x93: {  	s3 =	sld [smem:$0x3FFC];
	_ =	sdelay $0x3  }
0x94: {  	_ =	strace s3  }
0x95: {  	s3 =	sld [smem:$0x3FFD];
	_ =	sdelay $0x3  }
0x96: {  	_ =	strace s3  }
0x97: {  	_ =	strace $0x8FFFFFFF  }
0x98: {  	s19 =	sld [smem:$0x3FDB];
	_ =	sdelay $0x1  }
0x99: {  	s4 =	simm.s32 $_scs_section_size  }
0x9a: {  	s5 =	simm.s32 $_size__tile_overlayer_lowered;
	s6 =	simm.s32 $_tile_overlayer_lowered  }
0x9b: {  	s22 =	simm.s32 $0x1BFF;
	s21 =	sshll.u32 s6, $0x1;
	s3 =	sadd.s32 s4, s19  }
0x9c: {  	s7 =	simm.s32 $0x0;
	s20 =	sshll.u32 s5, $0x1;
	s5 =	sadd.s32 s21, s3  }
0x9d: {  	[timem:s7], [sflag:s22] =	dma.local [hbm:s5], s20  }
0x9e: {  	_ =	swait.ge [sflag:s22], s20  }
0x9f: {  	s4 =	ssub.s32 $0x0, s20;
	[sflag:s22] =	ssyncset.done $0x0  }
0xa0: {  	[sflag:s22] =	ssyncadd.s32 s4;
	_ =	sdelay $0x1  }
0xa1: {  	s23 =	simm.s32 $0x1B8B  }
0xa2: {  	_ =	swait.ge [sflag:s23], $0x1  }
0xa3: {  	[sflag:s23] =	ssyncset.done $0x0  }
0xa4: {  	s25 =	simm.s32 $0x1B8E;
	s24 =	sld [smem:$0x3FFE];
	[sflag:s23] =	ssyncadd.s32 $0xFFFFFFFF  }
0xa5: {  	s26 =	simm.s32 $execute0_lowered;
	[smem:$0x3FD2] =	sst s25  }
0xa6: {  	s5 =	sshll.u32 s26, $0x1;
	_ =	strace $0x80000046;
	[dreg:$0x1] =	wrdreg $0xFFFFFFFF  }
0xa7: {  	s28 =	simm.s32 $_size_execute0_lowered;
	s3 =	sadd.s32 s3, s5;
	[dreg:$0x0] =	wrdreg $0x0  }
0xa8: {  	s5 =	sshll.u32 s28, $0x1;
	[dreg:$0x2] =	wrdreg s3  }
0xa9: {  	[dreg:$0x3] =	wrdreg s5  }
0xaa: {  	[dreg:$0x4] =	wrdreg $0xC0  }
0xab: {  	_ =	task [dreg:s7], $0x5FFFF  }
0xac: {  	[dreg:$0x1] =	wrdreg $0xFFFFFFFF  }
0xad: {  	[dreg:$0x0] =	wrdreg $0x60  }
0xae: {  	[dreg:$0x2] =	wrdreg s24  }
0xaf: {  	[dreg:$0x3] =	wrdreg s2  }
0xb0: {  	[dreg:$0x4] =	wrdreg $0x9  }
0xb1: {  	_ =	task.clear_ibuf [dreg:s7], $0x5FFFF;
	_ =	strace $0x90000046  }
0xb2: {  	s29 =	simm.s32 $0x9;
	_ =	strace $0x80000048  }
0xb3: {  	_ =	swait.ge [sflag:s29], $0x1  }
0xb4: {  	[sflag:s29] =	ssyncadd.s32 $0xFFFFFFFF  }
0xb5: {  	_ =	strace $0x90000048  }
0xb6: {  	_ =	sfence  }
0xb7: {  	s30 =	sld [smem:$0x0];
	_ =	sdelay $0x2  }
0xb8: {  	s31 =	sshll.u32 s1, $0xD;
	s1 =	sshrl.u32 s1, $0x2  }
0xb9: {  	s3 =	sand.u32 $0x4000, s31;
	s1 =	sadd.s32 s1, s30  }
0xba: {  	s0 =	sor.u32 s3, s0;
	s1 =	sshll.u32 s1, $0x11  }
0xbb: {  	s0 =	sor.u32 s1, s0  }
0xbc: {  	s0 =	sadd.s32 $0x8F2B, s0  }
0xbd: {  	[sflag:s0] =	ssyncadd.remote.s32 $0x1  }
0xbe: {  	_ =	sfence.sel $0xFFFF  }
0xbf: {  	[dreg:$0x0] =	wrdreg $0xFFFFFFFF;
	(pc) =	sbr.abs _section_cstart, $3  }
0xc0: {  	[dreg:$0x1] =	wrdreg $0xFFFFFFFF  }
0xc1: {  	_ =	task.clear_ibuf [dreg:s7], $0x2FFFF;
	_ =	strace $0x9FFFFFFF  }
0xc2: {  	(tm) =	ssettm $0x7FFFFFFF  }
0xc3: {  	_ =	shalt  }
tec
execute0_lowered:
.L_overlay_start_1:
0x0: {  	(tag) =	ssettag $0x1  }
0x1: {  	v0 =	vlaneseq.u32  }
0x2: {  	v2 =	vmul.u32 $0x46, v0;
	_ =	sdelay $0x1  }
0x3: {  	v62 =	vor.u32 $0x1, v2;
	v0 =	vadd.s32 $0x2, v2  }
0x4: {  	v15 =	vadd.s32 $0x3, v2;
	v11 =	vadd.s32 $0x4, v2;
	v17 =	vadd.s32 $0x5, v2  }
0x5: {  	v28 =	vadd.s32 $0x6, v2;
	v14 =	vadd.s32 $0x7, v2;
	v20 =	vadd.s32 $0x8, v2  }
0x6: {  	v16 =	vadd.s32 $0x9, v2;
	v22 =	vadd.s32 $0xA, v2;
	v33 =	vadd.s32 $0xB, v2  }
0x7: {  	v19 =	vadd.s32 $0xC, v2;
	v25 =	vadd.s32 $0xD, v2;
	v21 =	vadd.s32 $0xE, v2  }
0x8: {  	v27 =	vadd.s32 $0xF, v2;
	v38 =	vadd.s32 $0x10, v2;
	v24 =	vadd.s32 $0x11, v2  }
0x9: {  	s8 =	rddreg [dreg:$0x0];
	v30 =	vadd.s32 $0x12, v2;
	v26 =	vadd.s32 $0x13, v2;
	v32 =	vadd.s32 $0x14, v2  }
0xa: {  	s1 =	rddreg [dreg:$0x1];
	s2 =	simm.s32 $0x0;
	v43 =	vadd.s32 $0x15, v2;
	v29 =	vadd.s32 $0x16, v2;
	v35 =	vadd.s32 $0x17, v2  }
0xb: {  	[smem:$0x7FF] =	sst s2;
	v31 =	vadd.s32 $0x18, v2;
	v37 =	vadd.s32 $0x19, v2;
	v1 =	vadd.s32 $0x32, v2  }
0xc: {  	s0 =	rddreg [dreg:$0x2];
	_ =	strace $0x80000047;
	v48 =	vadd.s32 $0x1A, v2;
	v34 =	vadd.s32 $0x1B, v2;
	v3 =	vadd.s32 $0x3E, v2;
	[tilespmem:$0x1FF10] =	vst v1  }
0xd: {  	v40 =	vadd.s32 $0x1C, v2;
	v36 =	vadd.s32 $0x1D, v2;
	v59 =	vadd.s32 $0x33, v2;
	[tilespmem:$0x1FF70] =	vst v3  }
0xe: {  	v42 =	vadd.s32 $0x1E, v2;
	v53 =	vadd.s32 $0x1F, v2;
	v58 =	vadd.s32 $0x35, v2;
	[tilespmem:$0x1FFA0] =	vst v59  }
0xf: {  	v39 =	vadd.s32 $0x20, v2;
	v45 =	vadd.s32 $0x21, v2;
	v1 =	vadd.s32 $0x39, v2;
	[tilespmem:$0x1FFB0] =	vst v58  }
0x10: {  	v41 =	vadd.s32 $0x22, v2;
	v47 =	vadd.s32 $0x23, v2;
	[tilespmem:$0x1FF20] =	vst v1;
	v1 =	vadd.s32 $0x3A, v2  }
0x11: {  	v8 =	vadd.s32 $0x24, v2;
	v44 =	vadd.s32 $0x25, v2;
	[tilespmem:$0x1FF30] =	vst v1;
	v1 =	vadd.s32 $0x3B, v2  }
0x12: {  	v50 =	vadd.s32 $0x26, v2;
	v46 =	vadd.s32 $0x27, v2;
	[tilespmem:$0x1FF40] =	vst v1;
	v1 =	vadd.s32 $0x3C, v2  }
0x13: {  	v52 =	vadd.s32 $0x28, v2;
	v12 =	vadd.s32 $0x29, v2;
	[tilespmem:$0x1FF50] =	vst v1;
	v1 =	vadd.s32 $0x3D, v2  }
0x14: {  	s13 =	simm.s32 $0xA00;
	v54 =	vadd.s32 $0x2A, v2;
	v10 =	vadd.s32 $0x2F, v2;
	[tilespmem:$0x1FF60] =	vst v1;
	v1 =	vimm.f32 $1.000000000e+00  }
0x15: {  	s5 =	srdreg.scid;
	s14 =	simm.s32 $0x0;
	s3 =	sadd.s32 $0x1C00, s8;
	v9 =	vadd.s32 $0x2B, v2;
	v51 =	vadd.s32 $0x2C, v2;
	[tilespmem:$0x1FFC0] =	vst v10;
	v1 =	vand.u32 $0x7FFFFFFF, v1  }
0x16: {  	s4 =	sadd.s32 $0x65C00, s8;
	s9 =	sand.u32 $0x1, s5;
	s6 =	sadd.s32 $0xC9C00, s8;
	v57 =	vadd.s32 $0x2D, v2;
	v63 =	vadd.s32 $0x2E, v2;
	v55 =	vadd.s32 $0x30, v2;
	[tilespmem:$0x1FFD0] =	vst v17  }
0x17: {  	s5 =	stileid.u32;
	s7 =	sadd.s32 $0x1A00, s8;
	s10 =	ssub.s32 $0x2, s9;
	v56 =	vadd.s32 $0x31, v2;
	v60 =	vadd.s32 $0x34, v2;
	v61 =	vadd.s32 $0x36, v2;
	[tilespmem:$0x1FFF0] =	vst v15  }
0x18: {  	s8 =	sadd.s32 $0x1800, s8;
	s12 =	sshll.u32 s5, $0x1;
	s11 =	sshrl.u32 s10, $0x1;
	v13 =	vadd.s32 $0x37, v2;
	v23 =	vadd.s32 $0x38, v2;
	[tilespmem:$0x1FF80] =	vst v1;
	v1 =	vmovc v2;
	v2 =	vadd.s32 $0x3F, v2  }
0x19: {  	s9 =	sor.u32 s9, s12;
	s12 =	simm.s32 $0x300;
	s10 =	ssub.s32 s10, s11;
	[tilespmem:$0x1FF90] =	vst v2  }
0x1a: {  	s9 =	smul.u32 $0x19000, s9;
	s11 =	simm.s32 $0x1;
	s10 =	smax.u32 s10, $0x1;
	[tilespmem:$0x1FFE0] =	vst v1  }
.LBB2_1:
0x1b: {  	[tilespmem:s2], [sflag:$0x1] =	stream.linear.gather [hbm4b:s7+s2], $0x300, $0x38;
	[tilespmem:$0x9600] =	vst v63  }
0x1c: {  	_ =	swait.ge [sflag:s11], $0x300  }
0x1d: {  	[sflag:s11] =	ssyncset.done $0x0  }
0x1e: {  	[sflag:s11] =	ssyncadd.s32 $0xFFFFFD00  }
0x1f: {  	[tilespmem:s12], [sflag:$0x1] =	stream.linear.gather [hbm4b:s8+s2], $0x100, $0x38;
	[tilespmem:$0x9600] =	vst v63  }
0x20: {  	_ =	swait.ge [sflag:s11], $0x100  }
0x21: {  	[sflag:s11] =	ssyncset.done $0x0  }
0x22: {  	s15 =	simm.s32 $0x0;
	[sflag:s11] =	ssyncadd.s32 $0xFFFFFF00  }
.LBB2_2:
0x23: {  	s16 =	sshll.u32 s15, $0x9  }
0x24: {  	s16 =	sadd.s32 s9, s16  }
0x25: {  	s20 =	sshrl.u32 s16, $0x3  }
0x26: {  	s17 =	simm.s32 $0x0;
	s18 =	simm.s32 $0x400;
	s19 =	sadd.s32 s3, s20  }
0x27: {  	[tilespmem:s18], [sflag:$0x1] =	stream.linear.gather [hbm4b:s19+s17], $0x200, $0x38;
	[tilespmem:$0x9600] =	vst v63  }
0x28: {  	_ =	swait.ge [sflag:s11], $0x200  }
0x29: {  	[sflag:s11] =	ssyncset.done $0x0  }
0x2a: {  	s21 =	sadd.s32 s4, s20;
	s19 =	simm.s32 $0x600;
	[sflag:s11] =	ssyncadd.s32 $0xFFFFFE00  }
0x2b: {  	[tilespmem:s19], [sflag:$0x1] =	stream.linear.gather [hbm4b:s21+s17], $0x200, $0x38;
	[tilespmem:$0x9600] =	vst v63  }
0x2c: {  	_ =	swait.ge [sflag:s11], $0x200  }
0x2d: {  	[sflag:s11] =	ssyncset.done $0x0  }
0x2e: {  	s31 =	sadd.s32 s6, s20;
	s20 =	simm.s32 $0x800;
	[sflag:s11] =	ssyncadd.s32 $0xFFFFFE00  }
0x2f: {  	[tilespmem:s20], [sflag:$0x1] =	stream.linear.gather [hbm4b:s31+s17], $0x200, $0x38;
	[tilespmem:$0x9600] =	vst v63  }
0x30: {  	_ =	swait.ge [sflag:s11], $0x200  }
0x31: {  	[sflag:s11] =	ssyncset.done $0x0  }
0x32: {  	[sflag:s11] =	ssyncadd.s32 $0xFFFFFE00  }
.LBB2_3:
0x33: {  	v2 =	vld [tilespmem:s18+$0x0];
	_ =	sdelay $0x4  }
0x34: {  	v3 =	vshll.u32 v2, $0x5;
	_ =	sdelay $0x4  }
0x35: {  	v4 =	vadd.s32 s17, v1;
	v5 =	vld.idx.msk [tilespmem:v3+s2+$0x0], $0xffff  }
0x36: {  	v6 =	vor.u32 $0x1, v3;
	_ =	sdelay $0x2  }
0x37: {  	v7 =	vld [tilespmem:s19+$0x0]  }
0x38: {  	v2 =	vld [tilespmem:s20+$0x0];
	[tilespmem:v4+s13+$0x0] =	vst.idx.msk $0xffff, v5  }
0x39: {  	v49 =	vadd.s32 s17, v62;
	v4 =	vld.idx.msk [tilespmem:v6+s2+$0x0], $0xffff  }
0x3a: {  	v6 =	vor.u32 $0x2, v3;
	_ =	sdelay $0x3  }
0x3b: {  	[tilespmem:v49+s13+$0x0] =	vst.idx.msk $0xffff, v4  }
0x3c: {  	v49 =	vadd.s32 s17, v0;
	v4 =	vld.idx.msk [tilespmem:v6+s2+$0x0], $0xffff  }
0x3d: {  	v6 =	vor.u32 $0x3, v3;
	_ =	sdelay $0x3  }
0x3e: {  	[tilespmem:v49+s13+$0x0] =	vst.idx.msk $0xffff, v4  }
0x3f: {  	v49 =	vadd.s32 s17, v15;
	v4 =	vld.idx.msk [tilespmem:v6+s2+$0x0], $0xffff  }
0x40: {  	v6 =	vor.u32 $0x4, v3;
	_ =	sdelay $0x3  }
0x41: {  	[tilespmem:v49+s13+$0x0] =	vst.idx.msk $0xffff, v4  }
0x42: {  	v49 =	vadd.s32 s17, v11;
	v4 =	vld.idx.msk [tilespmem:v6+s2+$0x0], $0xffff  }
0x43: {  	v6 =	vor.u32 $0x5, v3;
	_ =	sdelay $0x3  }
0x44: {  	[tilespmem:v49+s13+$0x0] =	vst.idx.msk $0xffff, v4  }
0x45: {  	v49 =	vadd.s32 s17, v17;
	v4 =	vld.idx.msk [tilespmem:v6+s2+$0x0], $0xffff  }
0x46: {  	v6 =	vor.u32 $0x6, v3;
	_ =	sdelay $0x3  }
0x47: {  	[tilespmem:v49+s13+$0x0] =	vst.idx.msk $0xffff, v4  }
0x48: {  	v49 =	vadd.s32 s17, v28;
	v4 =	vld.idx.msk [tilespmem:v6+s2+$0x0], $0xffff  }
0x49: {  	v6 =	vor.u32 $0x7, v3;
	_ =	sdelay $0x3  }
0x4a: {  	[tilespmem:v49+s13+$0x0] =	vst.idx.msk $0xffff, v4  }
0x4b: {  	v49 =	vadd.s32 s17, v14;
	v4 =	vld.idx.msk [tilespmem:v6+s2+$0x0], $0xffff  }
0x4c: {  	v6 =	vor.u32 $0x8, v3;
	_ =	sdelay $0x3  }
0x4d: {  	[tilespmem:v49+s13+$0x0] =	vst.idx.msk $0xffff, v4  }
0x4e: {  	v49 =	vadd.s32 s17, v20;
	v4 =	vld.idx.msk [tilespmem:v6+s2+$0x0], $0xffff  }
0x4f: {  	v6 =	vor.u32 $0x9, v3;
	_ =	sdelay $0x3  }
0x50: {  	[tilespmem:v49+s13+$0x0] =	vst.idx.msk $0xffff, v4  }
0x51: {  	v49 =	vadd.s32 s17, v16;
	v4 =	vld.idx.msk [tilespmem:v6+s2+$0x0], $0xffff  }
0x52: {  	v6 =	vor.u32 $0xA, v3;
	_ =	sdelay $0x3  }
0x53: {  	[tilespmem:v49+s13+$0x0] =	vst.idx.msk $0xffff, v4  }
0x54: {  	v49 =	vadd.s32 s17, v22;
	v4 =	vld.idx.msk [tilespmem:v6+s2+$0x0], $0xffff  }
0x55: {  	v6 =	vor.u32 $0xB, v3;
	_ =	sdelay $0x3  }
0x56: {  	[tilespmem:v49+s13+$0x0] =	vst.idx.msk $0xffff, v4  }
0x57: {  	v49 =	vadd.s32 s17, v33;
	v4 =	vld.idx.msk [tilespmem:v6+s2+$0x0], $0xffff  }
0x58: {  	v6 =	vor.u32 $0xC, v3;
	_ =	sdelay $0x3  }
0x59: {  	[tilespmem:v49+s13+$0x0] =	vst.idx.msk $0xffff, v4  }
0x5a: {  	v49 =	vadd.s32 s17, v19;
	v4 =	vld.idx.msk [tilespmem:v6+s2+$0x0], $0xffff  }
0x5b: {  	v6 =	vor.u32 $0xD, v3;
	_ =	sdelay $0x3  }
0x5c: {  	[tilespmem:v49+s13+$0x0] =	vst.idx.msk $0xffff, v4  }
0x5d: {  	v49 =	vadd.s32 s17, v25;
	v4 =	vld.idx.msk [tilespmem:v6+s2+$0x0], $0xffff  }
0x5e: {  	v6 =	vor.u32 $0xE, v3;
	_ =	sdelay $0x3  }
0x5f: {  	[tilespmem:v49+s13+$0x0] =	vst.idx.msk $0xffff, v4  }
0x60: {  	v49 =	vadd.s32 s17, v21;
	v4 =	vld.idx.msk [tilespmem:v6+s2+$0x0], $0xffff  }
0x61: {  	v6 =	vor.u32 $0xF, v3;
	_ =	sdelay $0x3  }
0x62: {  	[tilespmem:v49+s13+$0x0] =	vst.idx.msk $0xffff, v4  }
0x63: {  	v49 =	vadd.s32 s17, v27;
	v4 =	vld.idx.msk [tilespmem:v6+s2+$0x0], $0xffff  }
0x64: {  	v6 =	vor.u32 $0x10, v3;
	_ =	sdelay $0x3  }
0x65: {  	[tilespmem:v49+s13+$0x0] =	vst.idx.msk $0xffff, v4  }
0x66: {  	v49 =	vadd.s32 s17, v38;
	v4 =	vld.idx.msk [tilespmem:v6+s2+$0x0], $0xffff  }
0x67: {  	v6 =	vor.u32 $0x11, v3;
	_ =	sdelay $0x3  }
0x68: {  	[tilespmem:v49+s13+$0x0] =	vst.idx.msk $0xffff, v4  }
0x69: {  	v49 =	vadd.s32 s17, v24;
	v4 =	vld.idx.msk [tilespmem:v6+s2+$0x0], $0xffff  }
0x6a: {  	v6 =	vor.u32 $0x12, v3;
	_ =	sdelay $0x3  }
0x6b: {  	[tilespmem:v49+s13+$0x0] =	vst.idx.msk $0xffff, v4  }
0x6c: {  	v49 =	vadd.s32 s17, v30;
	v4 =	vld.idx.msk [tilespmem:v6+s2+$0x0], $0xffff  }
0x6d: {  	v6 =	vor.u32 $0x13, v3;
	_ =	sdelay $0x3  }
0x6e: {  	[tilespmem:v49+s13+$0x0] =	vst.idx.msk $0xffff, v4  }
0x6f: {  	v49 =	vadd.s32 s17, v26;
	v4 =	vld.idx.msk [tilespmem:v6+s2+$0x0], $0xffff  }
0x70: {  	v6 =	vor.u32 $0x14, v3;
	_ =	sdelay $0x3  }
0x71: {  	[tilespmem:v49+s13+$0x0] =	vst.idx.msk $0xffff, v4  }
0x72: {  	v49 =	vadd.s32 s17, v32;
	v4 =	vld.idx.msk [tilespmem:v6+s2+$0x0], $0xffff  }
0x73: {  	v6 =	vor.u32 $0x15, v3;
	_ =	sdelay $0x3  }
0x74: {  	[tilespmem:v49+s13+$0x0] =	vst.idx.msk $0xffff, v4  }
0x75: {  	v49 =	vadd.s32 s17, v43;
	v4 =	vld.idx.msk [tilespmem:v6+s2+$0x0], $0xffff  }
0x76: {  	v6 =	vor.u32 $0x16, v3;
	_ =	sdelay $0x3  }
0x77: {  	[tilespmem:v49+s13+$0x0] =	vst.idx.msk $0xffff, v4  }
0x78: {  	v49 =	vadd.s32 s17, v29;
	v4 =	vld.idx.msk [tilespmem:v6+s2+$0x0], $0xffff  }
0x79: {  	v6 =	vor.u32 $0x17, v3;
	_ =	sdelay $0x3  }
0x7a: {  	[tilespmem:v49+s13+$0x0] =	vst.idx.msk $0xffff, v4  }
0x7b: {  	v49 =	vadd.s32 s17, v35;
	v4 =	vld.idx.msk [tilespmem:v6+s2+$0x0], $0xffff  }
0x7c: {  	v6 =	vor.u32 $0x18, v3;
	_ =	sdelay $0x3  }
0x7d: {  	[tilespmem:v49+s13+$0x0] =	vst.idx.msk $0xffff, v4  }
0x7e: {  	v49 =	vadd.s32 s17, v31;
	v4 =	vld.idx.msk [tilespmem:v6+s2+$0x0], $0xffff  }
0x7f: {  	v6 =	vor.u32 $0x19, v3;
	_ =	sdelay $0x3  }
0x80: {  	[tilespmem:v49+s13+$0x0] =	vst.idx.msk $0xffff, v4  }
0x81: {  	v49 =	vadd.s32 s17, v37;
	v4 =	vld.idx.msk [tilespmem:v6+s2+$0x0], $0xffff  }
0x82: {  	v6 =	vor.u32 $0x1A, v3;
	_ =	sdelay $0x3  }
0x83: {  	[tilespmem:v49+s13+$0x0] =	vst.idx.msk $0xffff, v4  }
0x84: {  	v49 =	vadd.s32 s17, v48;
	v4 =	vld.idx.msk [tilespmem:v6+s2+$0x0], $0xffff  }
0x85: {  	v6 =	vor.u32 $0x1B, v3;
	_ =	sdelay $0x3  }
0x86: {  	[tilespmem:v49+s13+$0x0] =	vst.idx.msk $0xffff, v4  }
0x87: {  	v49 =	vadd.s32 s17, v34;
	v4 =	vld.idx.msk [tilespmem:v6+s2+$0x0], $0xffff  }
0x88: {  	v6 =	vor.u32 $0x1C, v3;
	_ =	sdelay $0x3  }
0x89: {  	[tilespmem:v49+s13+$0x0] =	vst.idx.msk $0xffff, v4  }
0x8a: {  	v49 =	vadd.s32 s17, v40;
	v4 =	vld.idx.msk [tilespmem:v6+s2+$0x0], $0xffff  }
0x8b: {  	v6 =	vor.u32 $0x1D, v3;
	_ =	sdelay $0x3  }
0x8c: {  	[tilespmem:v49+s13+$0x0] =	vst.idx.msk $0xffff, v4  }
0x8d: {  	v49 =	vadd.s32 s17, v36;
	v4 =	vld.idx.msk [tilespmem:v6+s2+$0x0], $0xffff  }
0x8e: {  	v6 =	vor.u32 $0x1E, v3;
	_ =	sdelay $0x3  }
0x8f: {  	[tilespmem:v49+s13+$0x0] =	vst.idx.msk $0xffff, v4  }
0x90: {  	v49 =	vadd.s32 s17, v42;
	v4 =	vld.idx.msk [tilespmem:v6+s2+$0x0], $0xffff  }
0x91: {  	v3 =	vor.u32 $0x1F, v3;
	_ =	sdelay $0x3  }
0x92: {  	[tilespmem:v49+s13+$0x0] =	vst.idx.msk $0xffff, v4  }
0x93: {  	v49 =	vadd.s32 s17, v53;
	v4 =	vld.idx.msk [tilespmem:v3+s2+$0x0], $0xffff  }
0x94: {  	v3 =	vshll.u32 v7, $0x5;
	_ =	sdelay $0x3  }
0x95: {  	[tilespmem:v49+s13+$0x0] =	vst.idx.msk $0xffff, v4  }
0x96: {  	v49 =	vadd.s32 s17, v39;
	v4 =	vld.idx.msk [tilespmem:v3+s12+$0x0], $0xffff  }
0x97: {  	v6 =	vor.u32 $0x1, v3;
	_ =	sdelay $0x3  }
0x98: {  	[tilespmem:v49+s13+$0x0] =	vst.idx.msk $0xffff, v4  }
0x99: {  	v49 =	vadd.s32 s17, v45;
	v4 =	vld.idx.msk [tilespmem:v6+s12+$0x0], $0xffff  }
0x9a: {  	v6 =	vor.u32 $0x2, v3;
	_ =	sdelay $0x3  }
0x9b: {  	[tilespmem:v49+s13+$0x0] =	vst.idx.msk $0xffff, v4  }
0x9c: {  	v49 =	vadd.s32 s17, v41;
	v4 =	vld.idx.msk [tilespmem:v6+s12+$0x0], $0xffff  }
0x9d: {  	v6 =	vor.u32 $0x3, v3;
	_ =	sdelay $0x3  }
0x9e: {  	[tilespmem:v49+s13+$0x0] =	vst.idx.msk $0xffff, v4  }
0x9f: {  	v49 =	vadd.s32 s17, v47;
	v4 =	vld.idx.msk [tilespmem:v6+s12+$0x0], $0xffff  }
0xa0: {  	v6 =	vor.u32 $0x4, v3;
	_ =	sdelay $0x3  }
0xa1: {  	[tilespmem:v49+s13+$0x0] =	vst.idx.msk $0xffff, v4  }
0xa2: {  	v49 =	vadd.s32 s17, v8;
	v4 =	vld.idx.msk [tilespmem:v6+s12+$0x0], $0xffff  }
0xa3: {  	v6 =	vor.u32 $0x5, v3;
	_ =	sdelay $0x3  }
0xa4: {  	[tilespmem:v49+s13+$0x0] =	vst.idx.msk $0xffff, v4  }
0xa5: {  	v49 =	vadd.s32 s17, v44;
	v4 =	vld.idx.msk [tilespmem:v6+s12+$0x0], $0xffff  }
0xa6: {  	v6 =	vor.u32 $0x6, v3;
	_ =	sdelay $0x3  }
0xa7: {  	[tilespmem:v49+s13+$0x0] =	vst.idx.msk $0xffff, v4  }
0xa8: {  	v49 =	vadd.s32 s17, v50;
	v4 =	vld.idx.msk [tilespmem:v6+s12+$0x0], $0xffff  }
0xa9: {  	v6 =	vor.u32 $0x7, v3;
	_ =	sdelay $0x3  }
0xaa: {  	[tilespmem:v49+s13+$0x0] =	vst.idx.msk $0xffff, v4  }
0xab: {  	v49 =	vadd.s32 s17, v46;
	v4 =	vld.idx.msk [tilespmem:v6+s12+$0x0], $0xffff  }
0xac: {  	v6 =	vor.u32 $0x8, v3;
	_ =	sdelay $0x3  }
0xad: {  	[tilespmem:v49+s13+$0x0] =	vst.idx.msk $0xffff, v4  }
0xae: {  	v49 =	vadd.s32 s17, v52;
	v4 =	vld.idx.msk [tilespmem:v6+s12+$0x0], $0xffff  }
0xaf: {  	v6 =	vor.u32 $0x9, v3;
	_ =	sdelay $0x3  }
0xb0: {  	[tilespmem:v49+s13+$0x0] =	vst.idx.msk $0xffff, v4  }
0xb1: {  	v49 =	vadd.s32 s17, v12;
	v4 =	vld.idx.msk [tilespmem:v6+s12+$0x0], $0xffff  }
0xb2: {  	v6 =	vor.u32 $0xA, v3;
	_ =	sdelay $0x3  }
0xb3: {  	[tilespmem:v49+s13+$0x0] =	vst.idx.msk $0xffff, v4  }
0xb4: {  	v49 =	vadd.s32 s17, v54;
	v4 =	vld.idx.msk [tilespmem:v6+s12+$0x0], $0xffff  }
0xb5: {  	v6 =	vor.u32 $0xB, v3;
	_ =	sdelay $0x3  }
0xb6: {  	[tilespmem:v49+s13+$0x0] =	vst.idx.msk $0xffff, v4  }
0xb7: {  	v49 =	vadd.s32 s17, v9;
	v4 =	vld.idx.msk [tilespmem:v6+s12+$0x0], $0xffff  }
0xb8: {  	v6 =	vor.u32 $0xC, v3;
	_ =	sdelay $0x3  }
0xb9: {  	[tilespmem:v49+s13+$0x0] =	vst.idx.msk $0xffff, v4  }
0xba: {  	v49 =	vadd.s32 s17, v51;
	v4 =	vld.idx.msk [tilespmem:v6+s12+$0x0], $0xffff  }
0xbb: {  	v6 =	vor.u32 $0xD, v3;
	_ =	sdelay $0x3  }
0xbc: {  	[tilespmem:v49+s13+$0x0] =	vst.idx.msk $0xffff, v4  }
0xbd: {  	v49 =	vadd.s32 s17, v57;
	v4 =	vld.idx.msk [tilespmem:v6+s12+$0x0], $0xffff  }
0xbe: {  	v6 =	vor.u32 $0xE, v3;
	_ =	sdelay $0x3  }
0xbf: {  	[tilespmem:v49+s13+$0x0] =	vst.idx.msk $0xffff, v4  }
0xc0: {  	v49 =	vadd.s32 s17, v63;
	v4 =	vld.idx.msk [tilespmem:v6+s12+$0x0], $0xffff  }
0xc1: {  	v6 =	vor.u32 $0xF, v3;
	_ =	sdelay $0x3  }
0xc2: {  	[tilespmem:v49+s13+$0x0] =	vst.idx.msk $0xffff, v4  }
0xc3: {  	v49 =	vadd.s32 s17, v10;
	v4 =	vld.idx.msk [tilespmem:v6+s12+$0x0], $0xffff  }
0xc4: {  	v6 =	vor.u32 $0x10, v3;
	_ =	sdelay $0x3  }
0xc5: {  	[tilespmem:v49+s13+$0x0] =	vst.idx.msk $0xffff, v4  }
0xc6: {  	v49 =	vadd.s32 s17, v55;
	v4 =	vld.idx.msk [tilespmem:v6+s12+$0x0], $0xffff  }
0xc7: {  	v6 =	vor.u32 $0x11, v3;
	_ =	sdelay $0x3  }
0xc8: {  	[tilespmem:v49+s13+$0x0] =	vst.idx.msk $0xffff, v4  }
0xc9: {  	v49 =	vadd.s32 s17, v56;
	v4 =	vld.idx.msk [tilespmem:v6+s12+$0x0], $0xffff  }
0xca: {  	v1 =	vld [tilespmem:$0x1FF10];
	v6 =	vor.u32 $0x12, v3;
	_ =	sdelay $0x3  }
0xcb: {  	[tilespmem:v49+s13+$0x0] =	vst.idx.msk $0xffff, v4  }
0xcc: {  	v49 =	vadd.s32 s17, v1;
	v4 =	vld.idx.msk [tilespmem:v6+s12+$0x0], $0xffff  }
0xcd: {  	v6 =	vor.u32 $0x13, v3;
	_ =	sdelay $0x3  }
0xce: {  	[tilespmem:v49+s13+$0x0] =	vst.idx.msk $0xffff, v4  }
0xcf: {  	v49 =	vadd.s32 s17, v59;
	v4 =	vld.idx.msk [tilespmem:v6+s12+$0x0], $0xffff  }
0xd0: {  	v6 =	vor.u32 $0x14, v3;
	_ =	sdelay $0x3  }
0xd1: {  	[tilespmem:v49+s13+$0x0] =	vst.idx.msk $0xffff, v4  }
0xd2: {  	v59 =	vadd.s32 s17, v60;
	v4 =	vld.idx.msk [tilespmem:v6+s12+$0x0], $0xffff  }
0xd3: {  	v6 =	vor.u32 $0x15, v3;
	_ =	sdelay $0x3  }
0xd4: {  	[tilespmem:v59+s13+$0x0] =	vst.idx.msk $0xffff, v4  }
0xd5: {  	v49 =	vadd.s32 s17, v58;
	v4 =	vld.idx.msk [tilespmem:v6+s12+$0x0], $0xffff  }
0xd6: {  	v6 =	vor.u32 $0x16, v3;
	_ =	sdelay $0x3  }
0xd7: {  	[tilespmem:v49+s13+$0x0] =	vst.idx.msk $0xffff, v4  }
0xd8: {  	v58 =	vadd.s32 s17, v61;
	v4 =	vld.idx.msk [tilespmem:v6+s12+$0x0], $0xffff  }
0xd9: {  	v6 =	vor.u32 $0x17, v3;
	_ =	sdelay $0x3  }
0xda: {  	[tilespmem:v58+s13+$0x0] =	vst.idx.msk $0xffff, v4  }
0xdb: {  	v59 =	vadd.s32 s17, v13;
	v4 =	vld.idx.msk [tilespmem:v6+s12+$0x0], $0xffff  }
0xdc: {  	v6 =	vor.u32 $0x18, v3;
	_ =	sdelay $0x3  }
0xdd: {  	v1 =	vld [tilespmem:$0x1FF20];
	[tilespmem:v59+s13+$0x0] =	vst.idx.msk $0xffff, v4  }
0xde: {  	v7 =	vtrunc.f32 v2;
	v49 =	vadd.s32 s17, v23;
	v4 =	vld.idx.msk [tilespmem:v6+s12+$0x0], $0xffff  }
0xdf: {  	v7 =	vcvt.f32.s32 v7;
	v6 =	vor.u32 $0x19, v3;
	_ =	sdelay $0x1  }
0xe0: {  	v7 =	vcvt.s32.f32 v7;
	_ =	sdelay $0x1  }
0xe1: {  	v5 =	vadd.s32 s17, v1;
	v58 =	vmovc v8;
	v8 =	vadd.f32 $2.500000000e-01, v2;
	v2 =	vsub.f32 v2, v7;
	[tilespmem:v49+s13+$0x0] =	vst.idx.msk $0xffff, v4  }
0xe2: {  	v7 =	vor.u32 $0x1A, v3;
	v49 =	vmovc v44;
	v44 =	vmovc v39;
	v39 =	vmov v34;
	v34 =	vmov v29;
	v4 =	vld.idx.msk [tilespmem:v6+s12+$0x0], $0xffff  }
0xe3: {  	v29 =	vmovc v24;
	v24 =	vmovc v19;
	v19 =	vmov v14;
	v14 =	vmov v0;
	v0 =	vld [tilespmem:$0x1FF30];
	v6 =	vtrunc.f32 v8  }
0xe4: {  	v6 =	vcvt.f32.s32 v6  }
0xe5: {  	v18 =	vmov v13;
	v15 =	vmov v20  }
0xe6: {  	v20 =	vmovc v25;
	v25 =	vmovc v9;
	v13 =	vmov v61;
	v2 =	vadd.f32 $-5.000000000e-01, v2;
	v6 =	vcvt.s32.f32 v6  }
0xe7: {  	v61 =	vmovc v56;
	v56 =	vmovc v51;
	v51 =	vmov v46;
	v46 =	vmov v41;
	v59 =	vmov v12;
	v12 =	vld [tilespmem:$0x1FF80];
	[tilespmem:v5+s13+$0x0] =	vst.idx.msk $0xffff, v4  }
0xe8: {  	v41 =	vmovc v36;
	v36 =	vmovc v31;
	v9 =	vand.u32 $0x7FFFFFFF, v2;
	v5 =	vsub.f32 v8, v6;
	v6 =	vld.idx.msk [tilespmem:v7+s12+$0x0], $0xffff;
	v7 =	vadd.s32 s17, v0  }
0xe9: {  	v31 =	vmovc v26;
	v26 =	vmovc v16;
	v16 =	vmov v11;
	v11 =	vld [tilespmem:$0x1FF40];
	v4 =	vsub.f32 $5.000000000e-01, v9;
	v8 =	vor.u32 $0x1B, v3  }
0xea: {  	vm0 =	vlt.f32 v2, $0.0e+00;
	v5 =	vadd.f32 $-5.000000000e-01, v5  }
0xeb: {  	vm1 =	vgt.f32 v2, $0.0e+00;
	v4 =	vmin.f32 v9, v4;
	v9 =	vand.u32 $0x80000000, v2  }
0xec: {  	vm0 =	vmor vm1, vm0;
	v9 =	vor.u32 v9, v12;
	v10 =	vand.u32 $0x7FFFFFFF, v5  }
0xed: {  	v2 =	vsel vm0, v9, v2;
	v9 =	vsub.f32 $5.000000000e-01, v10;
	[tilespmem:v7+s13+$0x0] =	vst.idx.msk $0xffff, v6  }
0xee: {  	v11 =	vadd.s32 s17, v11;
	v7 =	vld.idx.msk [tilespmem:v8+s12+$0x0], $0xffff  }
0xef: {  	v2 =	vmul.f32 v4, v2;
	v8 =	vor.u32 $0x1C, v3;
	v4 =	vmin.f32 v10, v9;
	v9 =	vld [tilespmem:$0x1FF50];
	_ =	sdelay $0x3  }
0xf0: {  	vm14 =	vlt.f32 v5, $0.0e+00;
	[tilespmem:v11+s13+$0x0] =	vst.idx.msk $0xffff, v7  }
0xf1: {  	vm15 =	vgt.f32 v5, $0.0e+00;
	v6 =	vand.u32 $0x80000000, v5;
	v9 =	vadd.s32 s17, v9;
	v8 =	vld.idx.msk [tilespmem:v8+s12+$0x0], $0xffff  }
0xf2: {  	vm0 =	vmor vm15, vm14;
	v6 =	vor.u32 v6, v12  }
0xf3: {  	v5 =	vsel vm0, v6, v5  }
0xf4: {  	v4 =	vmul.f32 v4, v5;
	v5 =	vmul.f32 v2, v2;
	_ =	sdelay $0x1  }
0xf5: {  	v7 =	vmul.f32 $4.205869290e+01, v5;
	v11 =	vor.u32 $0x1D, v3;
	[tilespmem:v9+s13+$0x0] =	vst.idx.msk $0xffff, v8;
	v9 =	vld [tilespmem:$0x1FF60];
	_ =	sdelay $0x1  }
0xf6: {  	v6 =	vmul.f32 v4, v4;
	v7 =	vadd.f32 $-7.670585630e+01, v7;
	_ =	sdelay $0x1  }
0xf7: {  	v10 =	vmul.f32 $4.205869290e+01, v6;
	v7 =	vmul.f32 v7, v5  }
0xf8: {  	v8 =	vld.idx.msk [tilespmem:v11+s12+$0x0], $0xffff;
	v9 =	vadd.s32 s17, v9  }
0xf9: {  	v10 =	vadd.f32 $-7.670585630e+01, v10;
	v7 =	vadd.f32 $8.160524750e+01, v7;
	_ =	sdelay $0x1  }
0xfa: {  	v10 =	vmul.f32 v10, v6;
	v7 =	vmul.f32 v7, v5;
	_ =	sdelay $0x1  }
0xfb: {  	v10 =	vadd.f32 $8.160524750e+01, v10;
	v11 =	vor.u32 $0x1E, v3;
	v7 =	vadd.f32 $-4.134170150e+01, v7;
	[tilespmem:v9+s13+$0x0] =	vst.idx.msk $0xffff, v8;
	v8 =	vld [tilespmem:$0x1FF70];
	_ =	sdelay $0x1  }
0xfc: {  	v10 =	vmul.f32 v10, v6;
	v5 =	vmul.f32 v7, v5;
	_ =	sdelay $0x1  }
0xfd: {  	v0 =	vld [tilespmem:$0x1FFE0];
	v10 =	vadd.f32 $-4.134170150e+01, v10;
	v5 =	vadd.f32 $6.283185480e+00, v5  }
0xfe: {  	v7 =	vld.idx.msk [tilespmem:v11+s12+$0x0], $0xffff;
	v8 =	vadd.s32 s17, v8  }
0xff: {  	v3 =	vor.u32 $0x1F, v3;
	v6 =	vmul.f32 v10, v6;
	v2 =	vmul.f32 v5, v2;
	v5 =	vld [tilespmem:$0x1FF90];
	_ =	sdelay $0x1  }
0x100: {  	v6 =	vadd.f32 $6.283185480e+00, v6;
	_ =	sdelay $0x1  }
0x101: {  	v4 =	vmul.f32 v6, v4;
	[tilespmem:v8+s13+$0x0] =	vst.idx.msk $0xffff, v7  }
0x102: {  	v6 =	vadd.s32 $0x40, v0;
	v2 =	vsub.f32 $0.0e+00, v2;
	v5 =	vadd.s32 s17, v5;
	v3 =	vld.idx.msk [tilespmem:v3+s12+$0x0], $0xffff  }
0x103: {  	v6 =	vadd.s32 s17, v6  }
0x104: {  	v4 =	vsub.f32 $0.0e+00, v4;
	v7 =	vadd.f32 v2, v2;
	v8 =	vadd.s32 $0x41, v0  }
0x105: {  	v12 =	vadd.s32 $0x44, v0;
	v9 =	vadd.s32 $0x42, v0;
	v8 =	vadd.s32 s17, v8  }
0x106: {  	v9 =	vadd.s32 s17, v9;
	v11 =	vadd.s32 $0x43, v0;
	v10 =	vmul.f32 v4, v7  }
0x107: {  	v7 =	vmul.f32 v7, v2;
	[tilespmem:v5+s13+$0x0] =	vst.idx.msk $0xffff, v3;
	v5 =	vadd.s32 s17, v12;
	v12 =	vadd.s32 $0x45, v0  }
0x108: {  	v1 =	vmovc v60;
	v60 =	vmovc v55;
	v55 =	vmov v25;
	v11 =	vadd.s32 s17, v11;
	v3 =	vadd.f32 v10, v10  }
0x109: {  	v25 =	vmov v20;
	v20 =	vmov v15;
	[tilespmem:v6+s13+$0x0] =	vst.idx.msk $0xffff, v2;
	v2 =	vsub.f32 $1.000000000e+00, v7  }
0x10a: {  	p0 =	sne.s32 s17, $0x87A0;
	v6 =	vadd.s32 s17, v12;
	[tilespmem:v8+s13+$0x0] =	vst.idx.msk $0xffff, v4;
	v8 =	vmovc v58;
	v4 =	vmul.f32 v3, v10;
	v12 =	vmov v59  }
.Ltmp0:
0x10b: {  	v17 =	vld [tilespmem:$0x1FFD0];
	[tilespmem:v9+s13+$0x0] =	vst.idx.msk $0xffff, v10;
	v9 =	vmovc v55;
	v55 =	vmovc v60;
	v60 =	vmov v1;
	v1 =	vmov v0;
	v0 =	vmov v14;
	(pc) =	sbr.rel @p0 .LBB2_3-.Ltmp0, $4  }
0x10c: {  	v15 =	vld [tilespmem:$0x1FFF0];
	v14 =	vmovc v19;
	v19 =	vmovc v24;
	v24 =	vmov v29;
	v29 =	vmov v34;
	v3 =	vmul.f32 v2, v3  }
0x10d: {  	v58 =	vld [tilespmem:$0x1FFB0];
	v34 =	vmovc v39;
	v39 =	vmovc v44;
	v44 =	vmov v49;
	[tilespmem:v11+s13+$0x0] =	vst.idx.msk $0xffff, v2;
	v11 =	vmov v16;
	v2 =	vsub.f32 $1.000000000e+00, v4  }
0x10e: {  	s18 =	sadd.s32 $0x10, s18;
	v10 =	vld [tilespmem:$0x1FFC0];
	v16 =	vmovc v26;
	v26 =	vmovc v31;
	v31 =	vmov v36;
	v36 =	vmov v41;
	v41 =	vmov v46;
	[tilespmem:v5+s13+$0x0] =	vst.idx.msk $0xffff, v3  }
0x10f: {  	s19 =	sadd.s32 $0x10, s19;
	s20 =	sadd.s32 $0x10, s20;
	s17 =	sadd.s32 $0x460, s17;
	v59 =	vld [tilespmem:$0x1FFA0];
	v46 =	vmovc v51;
	v51 =	vmovc v56;
	v56 =	vmov v61;
	v61 =	vmov v13;
	v13 =	vmov v18;
	[tilespmem:v6+s13+$0x0] =	vst.idx.msk $0xffff, v2  }
0x110: {  	s16 =	smul.u32 $0x46, s16  }
0x111: {  	s15 =	sadd.s32 $0x1, s15  }
0x112: {  	p0 =	sne.s32 s15, $0xC8;
	s16 =	sshrl.u32 s16, $0x3  }
.Ltmp1:
0x113: {  	s16 =	sadd.s32 s1, s16;
	(pc) =	sbr.rel @p0 .LBB2_2-.Ltmp1, $4  }
0x114: {  	[hbm4b:s16+s2] =	stream.linear.scatter [tilespmem:s13], [sflag:$0x1], $0x8C00, $0x38;
	[tilespmem:$0x9600] =	vst v63  }
0x115: {  	_ =	swait.ge [sflag:s11], $0x8C00  }
0x116: {  	[sflag:s11] =	ssyncset.done $0x0  }
0x117: {  	[sflag:s11] =	ssyncadd.s32 $0xFFFF7400  }
0x118: {  	s14 =	sadd.s32 $0x1, s14  }
0x119: {  	p0 =	sne.s32 s14, s10  }
.Ltmp2:
0x11a: {  	_ = 	snop;
	(pc) =	sbr.rel @p0 .LBB2_1-.Ltmp2, $1  }
0x11b: {  	_ =	sdelay $0x3  }
0x11c: {  	_ =	sfence.sel $0x180000  }
0x11d: {  	[bflag:$0x0] =	sbarrier.arrive $0xFFFF  }
0x11e: {  	p0 =	sne.s32 s5, $0x0;
	_ =	strace $0x90000047  }
0x11f: {  	s0 =	sadd.s32 @!p0 $0x100000, s0;
	[bflag:$0x2] =	sbarrier.arrive $0xFFFF  }
0x120: {  	[sflag:s0] =	ssyncadd.tile.s32 @!p0 $0x1;
	_ =	shalt  }
.Lfunc_end2:
_tile_overlayer_lowered:
.L_overlay_start_2:
0x121: {  	(tag) =	ssettag $0x2  }
0x122: {  	s0 =	rddreg [dreg:$0x0];
	s2 =	stileid.u32  }
0x123: {  	s1 =	rddreg [dreg:$0x1];
	p0 =	sne.s32 s2, $0x0  }
0x124: {  	s3 =	rddreg [dreg:$0x2];
	[bflag:$0x3] =	sbarrier.arrive $0xFFFF;
	s2 =	simm.s32 @!p0 $0x1C01  }
0x125: {  	[timem:s3], [sflag:s2] =	dma.local @!p0 [hbm:s0], s1  }
0x126: {  	s0 =	simm.s32 @!p0 $0x1  }
0x127: {  	_ =	swait.ge @!p0 [sflag:s0], s1  }
0x128: {  	s1 =	ssub.s32 @!p0 $0x0, s1;
	[sflag:s0] =	ssyncset.done @!p0 $0x0  }
0x129: {  	[sflag:s0] =	ssyncadd.s32 @!p0 s1  }
0x12a: {  	[bflag:$0x3] =	sbarrier.arrive $0xFFFF  }
0x12b: {  	_ =	shalt  }

// kernel: sparse-core-data-format-call.cloned.1.call-start
scs
called_computation_lowered:
.L_overlay_start_0:
0x0: {  	s2 =	sld [smem:$0x3FD9]  }
0x1: {  	s3 =	sld [smem:$0x3FFE];
	_ =	sdelay $0x1  }
0x2: {  	s1 =	srdreg.scid  }
0x3: {  	s0 =	sand.u32 $0x1, s1  }
0x4: {  	s18 =	sshll.u32 s0, $0xA;
	s2 =	sadd.s32 s3, s2  }
0x5: {  	s2 =	sadd.s32 s2, s18  }
0x6: {  	[smem:$0x3FC3] =	sst s2  }
0x7: {  	_ = 	snop  }
0x8: {  	s2 =	sld [smem:$0x3FD0];
	(tm) =	ssettm $0x1  }
0x9: {  	s19 =	sld [smem:$0x3FFB];
	_ =	sdelay $0x3  }
0xa: {  	_ =	strace s19  }
0xb: {  	s3 =	sld [smem:$0x3FFC];
	_ =	sdelay $0x3  }
0xc: {  	_ =	strace s3  }
0xd: {  	s3 =	sld [smem:$0x3FFD];
	_ =	sdelay $0x3  }
0xe: {  	_ =	strace s3  }
0xf: {  	_ =	strace $0x8FFFFFFF  }
0x10: {  	s20 =	sld [smem:$0x3FDB];
	_ =	sdelay $0x1  }
0x11: {  	s4 =	simm.s32 $_scs_section_size  }
0x12: {  	s5 =	simm.s32 $_size__tile_overlayer_lowered;
	s6 =	simm.s32 $_tile_overlayer_lowered  }
0x13: {  	s23 =	simm.s32 $0x1BFF;
	s22 =	sshll.u32 s6, $0x1;
	s3 =	sadd.s32 s4, s20  }
0x14: {  	s7 =	simm.s32 $0x0;
	s21 =	sshll.u32 s5, $0x1;
	s5 =	sadd.s32 s22, s3  }
0x15: {  	[timem:s7], [sflag:s23] =	dma.local [hbm:s5], s21  }
0x16: {  	_ =	swait.ge [sflag:s23], s21  }
0x17: {  	s4 =	ssub.s32 $0x0, s21;
	[sflag:s23] =	ssyncset.done $0x0  }
0x18: {  	[sflag:s23] =	ssyncadd.s32 s4;
	_ =	sdelay $0x1  }
0x19: {  	s24 =	simm.s32 $0x1B8B  }
0x1a: {  	_ =	swait.ge [sflag:s24], $0x1  }
0x1b: {  	[sflag:s24] =	ssyncset.done $0x0  }
0x1c: {  	s26 =	simm.s32 $0x1B8E;
	s25 =	sld [smem:$0x3FFE];
	[sflag:s24] =	ssyncadd.s32 $0xFFFFFFFF  }
0x1d: {  	s27 =	simm.s32 $execute0_lowered;
	[smem:$0x3FD2] =	sst s26  }
0x1e: {  	s5 =	sshll.u32 s27, $0x1;
	_ =	strace $0x80000049;
	[dreg:$0x1] =	wrdreg $0xFFFFFFFF  }
0x1f: {  	s28 =	simm.s32 $_size_execute0_lowered;
	s3 =	sadd.s32 s3, s5;
	[dreg:$0x0] =	wrdreg $0x0  }
0x20: {  	s5 =	sshll.u32 s28, $0x1;
	[dreg:$0x2] =	wrdreg s3  }
0x21: {  	[dreg:$0x3] =	wrdreg s5  }
0x22: {  	[dreg:$0x4] =	wrdreg $0xC0  }
0x23: {  	_ =	task [dreg:s7], $0x5FFFF  }
0x24: {  	[dreg:$0x1] =	wrdreg $0xFFFFFFFF  }
0x25: {  	[dreg:$0x0] =	wrdreg $0x60  }
0x26: {  	[dreg:$0x2] =	wrdreg s25  }
0x27: {  	[dreg:$0x3] =	wrdreg s2  }
0x28: {  	[dreg:$0x4] =	wrdreg $0x9  }
0x29: {  	_ =	task.clear_ibuf [dreg:s7], $0x5FFFF;
	_ =	strace $0x90000049  }
0x2a: {  	s29 =	simm.s32 $0x9;
	_ =	strace $0x8000004B  }
0x2b: {  	_ =	swait.ge [sflag:s29], $0x1  }
0x2c: {  	[sflag:s29] =	ssyncadd.s32 $0xFFFFFFFF  }
0x2d: {  	_ =	strace $0x9000004B  }
0x2e: {  	_ =	sfence  }
0x2f: {  	s30 =	sld [smem:$0x0];
	_ =	sdelay $0x2  }
0x30: {  	s31 =	sshll.u32 s1, $0xD;
	s1 =	sshrl.u32 s1, $0x2  }
0x31: {  	s3 =	sand.u32 $0x4000, s31;
	s1 =	sadd.s32 s1, s30  }
0x32: {  	s0 =	sor.u32 s3, s0;
	s1 =	sshll.u32 s1, $0x11  }
0x33: {  	s0 =	sor.u32 s1, s0  }
0x34: {  	s0 =	sadd.s32 $0x8F2B, s0  }
0x35: {  	[sflag:s0] =	ssyncadd.remote.s32 $0x1  }
0x36: {  	_ =	sfence.sel $0xFFFF  }
0x37: {  	[dreg:$0x0] =	wrdreg $0xFFFFFFFF;
	(pc) =	sbr.abs _section_cstart, $3  }
0x38: {  	[dreg:$0x1] =	wrdreg $0xFFFFFFFF  }
0x39: {  	_ =	task.clear_ibuf [dreg:s7], $0x2FFFF;
	_ =	strace $0x9FFFFFFF  }
0x3a: {  	(tm) =	ssettm $0x7FFFFFFF  }
0x3b: {  	_ =	shalt  }
tec
execute0_lowered:
.L_overlay_start_1:
0x0: {  	(tag) =	ssettag $0x1  }
0x1: {  	s0 =	srdreg.scid  }
0x2: {  	s1 =	sshll.u32 s0, $0x4  }
0x3: {  	s6 =	rddreg [dreg:$0x0];
	s0 =	stileid.u32;
	s1 =	sand.u32 $0x10, s1  }
0x4: {  	s3 =	rddreg [dreg:$0x1];
	s1 =	sor.u32 s0, s1  }
0x5: {  	s5 =	simm.s32 $0x1;
	s31 =	simm.s32 $0x2;
	s2 =	sshll.u32 s1, $0x7  }
0x6: {  	s15 =	simm.s32 $0x0;
	s8 =	simm.s32 $0x320000;
	s4 =	ssub.s32 $0x4000, s2  }
0x7: {  	s14 =	simm.s32 $0x0;
	s9 =	simm.s32 $0x0;
	s30 =	sand.u32 $0xF80, s4  }
0x8: {  	s10 =	simm.s32 $0x0;
	s11 =	simm.s32 $0x0;
	p0 =	sne.s32 s30, $0x0  }
.Ltmp0:
0x9: {  	s7 =	sshrl.u32 s4, $0xC;
	s5 =	simm.s32 @!p0 $0x0;
	(pc) =	sbr.rel .LBB1_1-.Ltmp0, $4  }
0xa: {  	s13 =	simm.s32 $0x0;
	s1 =	rddreg [dreg:$0x2];
	s5 =	sadd.s32 s5, s7  }
0xb: {  	_ =	strace $0x8000004A;
	s4 =	simm.s32 $0x1;
	s5 =	smul.u32 $0xC8, s5  }
0xc: {  	s6 =	sadd.s32 $0x1800, s6;
	s12 =	smov.u32 s2;
	[sflag:s4] =	ssyncpa.u1 $0x0  }
0xd: {  	[sflag:s31] =	ssyncpa.u1 $0x0;
	p0 =	por $0x0, $0x0;
	s7 =	sor.u32 $0x1, s5  }
.LBB1_4:
0xe: {  	s20 =	sshra.s32 s20, $0x2;
	s27 =	sshll.u32 s9, $0xE  }
0xf: {  	s21 =	sand.u32 $0x78, s10;
	s22 =	sshll.u32 s10, $0x3;
	s24 =	sshll.u32 s9, $0x7  }
0x10: {  	p1 =	sgt.s32 s9, $0xC7;
	s30 =	sshra.s32 s9, $0x1F;
	s25 =	sshra.s32 s10, $0x1F  }
0x11: {  	s19 =	sadd.s32 s20, s19;
	s20 =	sand.u32 $0xFFFE0000, s27;
	s23 =	sand.u32 $0xFFFFFC00, s22  }
0x12: {  	v5 =	vld [tilespmem:s17+$0xFFFFFFD0];
	[tilespmem:s18+$0x2040 ss:$0x81] =	vst.msk $0xffff, v4;
	s22 =	sand.u32 $0x3C00, s22;
	s28 =	sand.u32 $0x380, s24;
	s31 =	sand.u32 s30, s9  }
0x13: {  	v58 =	vld [tilespmem:s17+$0xFFFFFFE0];
	[tilespmem:s18+$0x2850 ss:$0x81] =	vst.msk $0xffff, v3;
	s24 =	smov.u32 s10;
	s25 =	sand.u32 s25, s10;
	s20 =	sadd.s32 s23, s20  }
0x14: {  	v59 =	vld [tilespmem:s17+$0xFFFFFFF0];
	[tilespmem:s18+$0x3060 ss:$0x81] =	vst.msk $0xffff, v2;
	s21 =	sor.u32 s21, s22;
	s22 =	smov.u32 s9;
	s20 =	sshrl.u32 s20, $0xE  }
0x15: {  	v60 =	vld [tilespmem:s17+$0x0];
	[tilespmem:s18+$0x0 ss:$0x81] =	vst.msk $0xffff, v1;
	s22 =	simm.s32 @!p1 $0xC7;
	p1 =	sgt.s32 s10, $0x3F80;
	s29 =	smulhi.u32 $0x147AE15, s20  }
0x16: {  	v61 =	vld [tilespmem:s17+$0x10];
	[tilespmem:s19+$0x3870 ss:$0x81] =	vst.msk $0xffff, v0;
	s21 =	sor.u32 s28, s21;
	s18 =	ssub.s32 s22, s31;
	s24 =	simm.s32 @!p1 $0x3F80  }
0x17: {  	v62 =	vld [tilespmem:s17+$0x20];
	[tilespmem:s19+$0x810 ss:$0x81] =	vst.msk $0xffff, v5;
	s22 =	ssub.s32 s24, s25;
	s26 =	ssub.s32 $0xC8, s18;
	s23 =	smul.u32 $0xC8, s29  }
0x18: {  	v63 =	vld [tilespmem:s17+$0xFFFFFFC0];
	[tilespmem:s19+$0x1020 ss:$0x81] =	vst.msk $0xffff, v58;
	s27 =	sadd.s32 $0xFFFFFF39, s18;
	s18 =	smul.u32 $0x46, s26;
	s28 =	sadd.s32 $0xFFFFC080, s22  }
0x19: {  	[tilespmem:s19+$0x1830 ss:$0x81] =	vst.msk $0xffff, v59;
	p1 =	sgt.s32 s27, $0x0;
	s17 =	ssub.s32 $0x4000, s22;
	p2 =	sgt.s32 s28, $0x7F  }
0x1a: {  	s30 =	sand.u32 $0x7, s10;
	[tilespmem:s19+$0x2040 ss:$0x81] =	vst.msk $0xffff, v60;
	s18 =	simm.s32 @p1 $0x0;
	s17 =	simm.s32 @p2 $0x0  }
0x1b: {  	[tilespmem:s19+$0x2850 ss:$0x81] =	vst.msk $0xffff, v61;
	s29 =	sshrl.u32 s21, $0x3;
	s20 =	ssub.s32 s20, s23;
	s17 =	smul.u32 s17, s18  }
0x1c: {  	[tilespmem:s19+$0x3060 ss:$0x81] =	vst.msk $0xffff, v62;
	s21 =	sshll.u32 s30, $0x12;
	s20 =	sshll.u32 s20, $0xB;
	s18 =	sadd.s32 s3, s29  }
0x1d: {  	[tilespmem:s19+$0x0 ss:$0x81] =	vst.msk $0xffff, v63;
	s31 =	sor.u32 $0x80, s21;
	s18 =	sadd.s32 s20, s18;
	s17 =	sand.u32 $0x3FFFFFFE, s17  }
0x1e: {  	[hbm4b:s18+s31] =	stream.strided.scatter [tilespmem:s16], [sflag:$0x2], s17, s8, s31, $0x20;
	[tilespmem:$0x10100] =	vst v63  }
.LBB1_5:
0x1f: {  	p1 =	slt.u32 s13, $0x2  }
0x20: {  	s17 =	smov.u32 s15;
	p2 =	sgt.s32 @!p1 s15, $0xC7;
	s16 =	sshra.s32 @!p1 s15, $0x1F  }
0x21: {  	p3 =	sgt.s32 @!p1 s14, $0x3F80;
	s18 =	sshra.s32 @!p1 s14, $0x1F;
	p2 =	por !p2, p1  }
0x22: {  	s15 =	sand.u32 @!p1 s16, s15;
	p3 =	por !p3, p1;
	s16 =	smov.u32 s14  }
0x23: {  	s14 =	sand.u32 @!p1 s18, s14;
	s17 =	simm.s32 @p2 $0xC7;
	s16 =	simm.s32 @p3 $0x3F80  }
0x24: {  	s18 =	smov.u32 s12;
	s15 =	ssub.s32 @!p1 s17, s15;
	s14 =	ssub.s32 @!p1 s16, s14  }
0x25: {  	s16 =	sadd.s32 @!p1 $0xFFFFFF39, s15;
	s15 =	ssub.s32 @!p1 $0xC8, s15;
	s17 =	sadd.s32 @!p1 $0xFFFFC080, s14  }
0x26: {  	p2 =	sgt.s32 @!p1 s16, $0x0;
	s15 =	smul.u32 @!p1 $0x46, s15;
	p3 =	sgt.s32 @!p1 s17, $0x7F  }
0x27: {  	s14 =	ssub.s32 @!p1 $0x4000, s14;
	p2 =	por !p2, p1;
	p3 =	por !p3, p1  }
0x28: {  	s16 =	sadd.s32 $0x1, s11;
	s15 =	simm.s32 @!p2 $0x0;
	s14 =	simm.s32 @!p3 $0x0  }
0x29: {  	p2 =	sgt.s32 s16, $0xC7;
	s14 =	smul.u32 @!p1 s14, s15;
	s15 =	sadd.s32 $0x1000, s12  }
0x2a: {  	s18 =	smov.u32 @p2 s15  }
0x2b: {  	s16 =	simm.s32 @p2 $0x0;
	p2 =	sgt.s32 s18, $0x3FFF  }
0x2c: {  	s18 =	smov.u32 @p2 s2;
	p2 =	sne.s32 s13, s7  }
.Ltmp1:
0x2d: {  	p0 =	por !p0, !p0;
	s17 =	simm.s32 @!p1 $0x2;
	(pc) =	sbr.rel @!p2 .LBB1_6-.Ltmp1, $4  }
0x2e: {  	s15 =	smov.u32 s9;
	s9 =	smov.u32 s11;
	s14 =	sand.u32 @!p1 $0x3FFFFFFE, s14  }
0x2f: {  	s11 =	smov.u32 s16;
	_ =	swait.ge @!p1 [sflag:s17], s14;
	s19 =	ssub.s32 @!p1 $0x0, s14  }
0x30: {  	s14 =	smov.u32 s10;
	s13 =	sadd.s32 $0x1, s13;
	[sflag:s17] =	ssyncset.done @!p1 $0x0  }
0x31: {  	s10 =	smov.u32 s12;
	s12 =	smov.u32 s18;
	[sflag:s17] =	ssyncadd.s32 @!p1 s19  }
.LBB1_1:
0x32: {  	p1 =	sge.u32 s13, s5  }
0x33: {  	s16 =	sand.u32 @!p1 $0x1FFFFFF, s11  }
0x34: {  	s17 =	smulhi.u32 @!p1 $0x147AE15, s16;
	_ =	sdelay $0x1  }
0x35: {  	s17 =	smul.u32 @!p1 $0xC8, s17  }
0x36: {  	s18 =	sxor.u32 @!p1 $0xFFFFFFFF, s13;
	s19 =	smul.u32 @!p1 $0xC80, s12  }
0x37: {  	s31 =	sadd.s32 $0xFFFFFFFF, s13;
	s18 =	sshll.u32 @!p1 s18, $0xE;
	s16 =	ssub.s32 @!p1 s16, s17  }
0x38: {  	s17 =	sand.u32 @!p1 $0x4000, s18;
	s18 =	sadd.s32 @!p1 s6, s19;
	s16 =	sshll.u32 @!p1 s16, $0x4  }
0x39: {  	s19 =	simm.s32 @!p1 $0x6400;
	s16 =	sadd.s32 @!p1 s16, s18;
	s18 =	simm.s32 @!p1 $0x80  }
0x3a: {  	[tilespmem:s17], [sflag:$0x1] =	stream.strided.gather @!p1 [hbm4b:s16+s18], $0x4000, s19, s18, $0x38;
	[tilespmem:$0x10100] =	vst v63  }
0x3b: {  	p1 =	sge.u32 s31, s5  }
.Ltmp2:
0x3c: {  	_ = 	snop;
	(pc) =	sbr.rel @p1 .LBB1_5-.Ltmp2, $1  }
0x3d: {  	_ =	sdelay $0x3  }
0x3e: {  	s16 =	simm.s32 $0x1  }
0x3f: {  	_ =	swait.ge [sflag:s4], $0x4000;
	s16 =	simm.s32 @!p0 $0x0  }
0x40: {  	[sflag:s4] =	ssyncset.done $0x0;
	s17 =	sshll.u32 s16, $0xE  }
0x41: {  	[sflag:s4] =	ssyncadd.s32 $0xFFFFC000;
	s17 =	sor.u32 $0x40, s17  }
0x42: {  	s16 =	smul.u32 $0x10200, s16;
	v0 =	vld [tilespmem:s17+$0x30]  }
0x43: {  	v1 =	vld [tilespmem:s17+$0xFFFFFFD0]  }
0x44: {  	s16 =	sshrl.u32 s16, $0x2;
	v5 =	vld [tilespmem:s17+$0xFFFFFFE0]  }
0x45: {  	v6 =	vld [tilespmem:s17+$0xFFFFFFF0];
	s19 =	sor.u32 $0x8000, s16  }
0x46: {  	s31 =	sand.u32 $0x1, s13;
	v4 =	vld [tilespmem:s17+$0x0];
	s18 =	sadd.s32 $0x0, s19  }
0x47: {  	v3 =	vld [tilespmem:s17+$0x10];
	s16 =	smul.u32 $0x10200, s31;
	[tilespmem:s18+$0x3870 ss:$0x81] =	vst.msk $0xffff, v0  }
0x48: {  	v2 =	vld [tilespmem:s17+$0x20];
	[tilespmem:s18+$0x810 ss:$0x81] =	vst.msk $0xffff, v1  }
0x49: {  	s16 =	sshrl.u32 s16, $0x2;
	v1 =	vld [tilespmem:s17+$0xFFFFFFC0];
	[tilespmem:s18+$0x1020 ss:$0x81] =	vst.msk $0xffff, v5;
	s17 =	sadd.s32 $0x80, s17  }
0x4a: {  	s20 =	simm.s32 $0x4;
	s21 =	simm.s32 $0x8;
	s16 =	sor.u32 $0x8000, s16;
	[tilespmem:s18+$0x1830 ss:$0x81] =	vst.msk $0xffff, v6;
	v0 =	vld [tilespmem:s17+$0x30]  }
.LBB1_3:
0x4b: {  	p1 =	sne.s32 s21, $0x1FC;
	v5 =	vld [tilespmem:s17+$0xFFFFFFD0];
	[tilespmem:s18+$0x2040 ss:$0x81] =	vst.msk $0xffff, v4  }
0x4c: {  	v6 =	vld [tilespmem:s17+$0xFFFFFFE0];
	[tilespmem:s18+$0x2850 ss:$0x81] =	vst.msk $0xffff, v3  }
0x4d: {  	s22 =	sshra.s32 s20, $0x2;
	s20 =	smov.u32 s21;
	v7 =	vld [tilespmem:s17+$0xFFFFFFF0];
	[tilespmem:s18+$0x3060 ss:$0x81] =	vst.msk $0xffff, v2  }
.Ltmp3:
0x4e: {  	v4 =	vld [tilespmem:s17+$0x0];
	[tilespmem:s18+$0x0 ss:$0x81] =	vst.msk $0xffff, v1;
	s18 =	sadd.s32 s22, s19;
	(pc) =	sbr.rel @p1 .LBB1_3-.Ltmp3, $4  }
0x4f: {  	v3 =	vld [tilespmem:s17+$0x10];
	[tilespmem:s18+$0x3870 ss:$0x81] =	vst.msk $0xffff, v0  }
0x50: {  	[tilespmem:s18+$0x810 ss:$0x81] =	vst.msk $0xffff, v5;
	v2 =	vld [tilespmem:s17+$0x20]  }
0x51: {  	v1 =	vld [tilespmem:s17+$0xFFFFFFC0];
	[tilespmem:s18+$0x1020 ss:$0x81] =	vst.msk $0xffff, v6;
	s17 =	sadd.s32 $0x80, s17  }
0x52: {  	s21 =	sadd.s32 $0x4, s21;
	v0 =	vld [tilespmem:s17+$0x30];
	[tilespmem:s18+$0x1830 ss:$0x81] =	vst.msk $0xffff, v7  }
.Ltmp4:
0x53: {  	_ = 	snop;
	(pc) =	sbr.rel .LBB1_4-.Ltmp4, $1  }
0x54: {  	_ =	sdelay $0x3  }
.LBB1_6:
0x55: {  	_ =	sfence.sel $0x180000  }
0x56: {  	s2 =	simm.s32 $0x1;
	[bflag:$0x0] =	sbarrier.arrive $0xFFFF  }
0x57: {  	s31 =	simm.s32 $0x2;
	[sflag:s2] =	ssyncpa.u1 $0x1  }
0x58: {  	[sflag:s31] =	ssyncpa.u1 $0x1  }
0x59: {  	p0 =	sne.s32 s0, $0x0;
	_ =	strace $0x9000004A  }
0x5a: {  	s0 =	sadd.s32 @!p0 $0x100000, s1;
	[bflag:$0x2] =	sbarrier.arrive $0xFFFF  }
0x5b: {  	[sflag:s0] =	ssyncadd.tile.s32 @!p0 $0x1;
	_ =	shalt  }
.Lfunc_end1:
_tile_overlayer_lowered:
.L_overlay_start_2:
0x5c: {  	(tag) =	ssettag $0x2  }
0x5d: {  	s0 =	rddreg [dreg:$0x0];
	s2 =	stileid.u32  }
0x5e: {  	s1 =	rddreg [dreg:$0x1];
	p0 =	sne.s32 s2, $0x0  }
0x5f: {  	s3 =	rddreg [dreg:$0x2];
	[bflag:$0x3] =	sbarrier.arrive $0xFFFF;
	s2 =	simm.s32 @!p0 $0x1C01  }
0x60: {  	[timem:s3], [sflag:s2] =	dma.local @!p0 [hbm:s0], s1  }
0x61: {  	s0 =	simm.s32 @!p0 $0x1  }
0x62: {  	_ =	swait.ge @!p0 [sflag:s0], s1  }
0x63: {  	s1 =	ssub.s32 @!p0 $0x0, s1;
	[sflag:s0] =	ssyncset.done @!p0 $0x0  }
0x64: {  	[sflag:s0] =	ssyncadd.s32 @!p0 s1  }
0x65: {  	[bflag:$0x3] =	sbarrier.arrive $0xFFFF  }
0x66: {  	_ =	shalt  }

</sc_bundles>
